<compile_context>
chip_gen: v7x
topology: tpu7x:2x2x1
jax: 0.10.2.dev20260603
libtpu: 0.0.44.dev20260713+nightly
codegen_flags: <defaults>
</compile_context>

<pallas_src>
import functools

import jax
import jax.numpy as jnp
from jax import lax
from jax.experimental import pallas as pl
from jax.experimental.pallas import tpu as pltpu
from jax.experimental.pallas import tpu_sc as plsc

_NC, _NS, _L = 2, 16, 16
_NW = _NC * _NS
_B = 16384
_D = 128
_BPW = _B // _NW
_CH = 4
_CHB = _BPW // _CH
_G = _CHB // _L


def _sc_router(idx2d, table, wb):
    mesh = plsc.VectorSubcoreMesh(core_axis_name="c", subcore_axis_name="s")

    @functools.partial(
        pl.kernel,
        out_type=jax.ShapeDtypeStruct((2, _B), jnp.float32),
        mesh=mesh,
        scratch_types=[
            pltpu.VMEM((_CH, _CHB), jnp.int32),
            pltpu.VMEM((_BPW, _D), jnp.float32),
            pltpu.VMEM((528,), jnp.float32),
            pltpu.VMEM((_BPW,), jnp.float32),
            pltpu.VMEM((_BPW,), jnp.float32),
            pltpu.SemaphoreType.DMA,
            pltpu.SemaphoreType.DMA,
            pltpu.SemaphoreType.DMA,
        ],
        compiler_params=pltpu.CompilerParams(needs_layout_passes=False),
    )
    def body(idx_hbm, table_hbm, wb_hbm, out_hbm,
             idx_v, rows_v, wb_v, o0_v, o1_v, sem_a, sem_b, sem_o):
        wid = lax.axis_index("s") * _NC + lax.axis_index("c")
        base = wid * _BPW
        pltpu.sync_copy(idx_hbm.at[pl.ds(wid * _CH, _CH)], idx_v)

        sems = [sem_a, sem_b]

        def fire(c):
            return pltpu.async_copy(
                table_hbm.at[idx_v.at[c]],
                rows_v.at[pl.ds(c * _CHB, _CHB)], sems[c % 2])

        cps = {0: fire(0), 1: fire(1)}
        wb_cp = pltpu.async_copy(wb_hbm, wb_v, sem_o)
        wb_cp.wait()

        iota16 = lax.iota(jnp.int32, _L)
        b0 = plsc.load_gather(wb_v, [jnp.full((_L,), 4 * _D, jnp.int32)])
        b1 = plsc.load_gather(wb_v, [jnp.full((_L,), 4 * _D + 1, jnp.int32)])
        for c in range(_CH):
            cps[c].wait()
            if c + 2 < _CH:
                cps[c + 2] = fire(c + 2)

            rids = [c * _CHB + g * _L + iota16 for g in range(_G)]

            def dbody(s, accs, rids=rids):
                dmod = (iota16 + s) & (_D - 1)
                w0r = wb_v[pl.ds(s, _L)]
                w1r = wb_v[pl.ds(s + 2 * _D, _L)]
                nxt = []
                for g in range(_G):
                    col = plsc.load_gather(rows_v, [rids[g], dmod])
                    nxt.append(accs[2 * g] + col * w0r)
                    nxt.append(accs[2 * g + 1] + col * w1r)
                return tuple(nxt)

            accs = lax.fori_loop(
                0, _D, dbody,
                tuple(jnp.zeros((_L,), jnp.float32) for _ in range(2 * _G)),
                unroll=2)
            for g in range(_G):
                off = c * _CHB + g * _L
                o0_v[pl.ds(off, _L)] = accs[2 * g] + b0
                o1_v[pl.ds(off, _L)] = accs[2 * g + 1] + b1

        cp0 = pltpu.async_copy(o0_v, out_hbm.at[0, pl.ds(base, _BPW)], sem_o)
        cp1 = pltpu.async_copy(o1_v, out_hbm.at[1, pl.ds(base, _BPW)], sem_o)
        cp0.wait()
        cp1.wait()

    return body(idx2d, table, wb)


def kernel(input_ids, table, W, b):
    idx2d = input_ids[:, 0].astype(jnp.int32).reshape(_NW * _CH, _CHB)
    Wf = W.astype(jnp.float32)
    w0, w1 = Wf[:, 0], Wf[:, 1]
    wb = jnp.concatenate([
        w0, w0, w1, w1,
        b.astype(jnp.float32),
        jnp.zeros((14,), jnp.float32),
    ])
    out2 = _sc_router(idx2d, table.astype(jnp.float32), wb)
    return out2.T

# --- scband reference (transcript-rebuilt; emitter-appended) ---
"""Pipeline reference for scband-router-23733989278255 (READ-ONLY COPY).

The authoritative reference and input builder live on the scoring server;
editing this copy changes nothing except your own understanding.
"""

import jax, jax.numpy as jnp
import numpy as np

B, T = 16384, 200
VOCAB, D = 100000, 128

def setup_inputs(seed: int = 0) -> dict:
    key = jax.random.key(seed)
    k1, k2, k3, k4 = jax.random.split(key, 4)
    input_ids = jax.random.randint(k1, (B, T), 0, VOCAB, dtype=jnp.int64)
    table = jax.random.normal(k2, (VOCAB, D), dtype=jnp.float32) * 0.02
    W = jax.random.normal(k3, (D, 2), dtype=jnp.float32) * (1.0 / np.sqrt(D))
    b = jnp.zeros((2,), dtype=jnp.float32)
    return {"input_ids": input_ids, "table": table, "W": W, "b": b}

def reference(input_ids, table, W, b):
    # Router.forward: look at only the first token embedding, then linear -> 2 logits
    first_tok = input_ids[:, 0]                 # (B,)
    h = jnp.take(table, first_tok, axis=0)      # (B, D) embedding gather
    logits = h @ W + b                          # (B, 2)
    return logits

if __name__ == "__main__":
    import jax
    _d = setup_inputs()
    print(jax.jit(kernel)(*tuple(_d.values())))

</pallas_src>

<mosaic_0001>
#map = affine_map<(d0, d1) -> (0, 0)>
#map1 = affine_map<(d0, d1) -> (0)>
module attributes {stable_mosaic.version = 14 : i64} {
  func.func @body(%arg0: i32, %arg1: i32, %arg2: memref<128x128xi32, #tpu.memory_space<hbm>>, %arg3: memref<100000x128xf32, #tpu.memory_space<hbm>>, %arg4: memref<528xf32, #tpu.memory_space<hbm>>, %arg5: memref<2x16384xf32, #tpu.memory_space<hbm>>, %arg6: memref<4x128xi32, #tpu.memory_space<vmem>>, %arg7: memref<512x128xf32, #tpu.memory_space<vmem>>, %arg8: memref<528xf32, #tpu.memory_space<vmem>>, %arg9: memref<512xf32, #tpu.memory_space<vmem>>, %arg10: memref<512xf32, #tpu.memory_space<vmem>>, %arg11: memref<!tpu.dma_semaphore, #tpu.memory_space<semaphore_mem>>, %arg12: memref<!tpu.dma_semaphore, #tpu.memory_space<semaphore_mem>>, %arg13: memref<!tpu.dma_semaphore, #tpu.memory_space<semaphore_mem>>) attributes {dimension_semantics = [#tpu.dimension_semantics<core_parallel>, #tpu.dimension_semantics<subcore_parallel>], iteration_bounds = array<i64: 2, 16>, scalar_prefetch = 0 : i64, scratch_operands = 8 : i64, tpu.core_type = #tpu.core_type<sc_vector_subcore>, window_params = [{transform_indices = #map}, {transform_indices = #map}, {transform_indices = #map1}, {transform_indices = #map}]} {
    %mul3A = arith.constant 2 : i32
    %mul3A_0 = arith.muli %arg1, %mul3A : i32
    %add3A = arith.addi %mul3A_0, %arg0 : i32
    %mul3A_1 = arith.constant 512 : i32
    %mul3A_2 = arith.muli %add3A, %mul3A_1 : i32
    %mul3A_3 = arith.constant 4 : i32
    %mul3A_4 = arith.muli %add3A, %mul3A_3 : i32
    "tpu.region"() ({
      %run_scoped3A = tpu.sem_alloc : memref<!tpu.dma_semaphore, #tpu.memory_space<semaphore_mem>>
      %dma_start3A_545 = arith.constant 0 : i32
      %dma_start3A_546 = tpu.memref_slice %arg2[%mul3A_4, %dma_start3A_545] : memref<128x128xi32, #tpu.memory_space<hbm>> -> memref<4x128xi32, #tpu.memory_space<hbm>>
      %dma_start3A_547 = arith.constant 0 : i32
      %dma_start3A_548 = tpu.memref_slice %arg2[%mul3A_4, %dma_start3A_547] : memref<128x128xi32, #tpu.memory_space<hbm>> -> memref<4x128xi32, #tpu.memory_space<hbm>>
      tpu.enqueue_dma source(%dma_start3A_548 : memref<4x128xi32, #tpu.memory_space<hbm>>) target(%arg6 : memref<4x128xi32, #tpu.memory_space<vmem>>) target_semaphore(%run_scoped3A : memref<!tpu.dma_semaphore, #tpu.memory_space<semaphore_mem>>)
      %dma_wait3A_549 = arith.constant 0 : i32
      %dma_wait3A_550 = tpu.memref_slice %arg2[%mul3A_4, %dma_wait3A_549] : memref<128x128xi32, #tpu.memory_space<hbm>> -> memref<4x128xi32, #tpu.memory_space<hbm>>
      %dma_wait3A_551 = arith.constant 0 : i32
      %dma_wait3A_552 = tpu.memref_slice %arg2[%mul3A_4, %dma_wait3A_551] : memref<128x128xi32, #tpu.memory_space<hbm>> -> memref<4x128xi32, #tpu.memory_space<hbm>>
      tpu.wait_dma2 semaphore(%run_scoped3A : memref<!tpu.dma_semaphore, #tpu.memory_space<semaphore_mem>>) src(%dma_wait3A_552 : memref<4x128xi32, #tpu.memory_space<hbm>>) dst(%arg6 : memref<4x128xi32, #tpu.memory_space<vmem>>)
      tpu.yield
    }) : () -> ()
    %dma_start3A = arith.constant 0 : i32
    %dma_start3A_5 = arith.constant 0 : i32
    %dma_start3A_6 = arith.constant 0 : i32
    %dma_start3A_7 = tpu.memref_slice %arg7[%dma_start3A_5, %dma_start3A_6] : memref<512x128xf32, #tpu.memory_space<vmem>> -> memref<128x128xf32, #tpu.memory_space<vmem>>
    %dma_start3A_8 = arith.constant 0 : i32
    %dma_start3A_9 = tpu.memref_slice %arg6[%dma_start3A, %dma_start3A_8] : memref<4x128xi32, #tpu.memory_space<vmem>> -> memref<1x128xi32, #tpu.memory_space<vmem>>
    %dma_start3A_10 = tpu.memref_squeeze %dma_start3A_9 : memref<1x128xi32, #tpu.memory_space<vmem>> -> memref<128xi32, #tpu.memory_space<vmem>>
    %dma_start3A_11 = arith.constant 0 : i32
    %dma_start3A_12 = arith.constant 0 : i32
    %dma_start3A_13 = tpu.memref_slice %arg3[%dma_start3A_11, %dma_start3A_12] : memref<100000x128xf32, #tpu.memory_space<hbm>> -> memref<100000x128xf32, #tpu.memory_space<hbm>>
    tpu.enqueue_indirect_dma source(%dma_start3A_13 : memref<100000x128xf32, #tpu.memory_space<hbm>>) target(%dma_start3A_7 : memref<128x128xf32, #tpu.memory_space<vmem>>) offsets(%dma_start3A_10 : memref<128xi32, #tpu.memory_space<vmem>>) semaphore(%arg11 : memref<!tpu.dma_semaphore, #tpu.memory_space<semaphore_mem>>)
    %dma_start3A_14 = arith.constant 1 : i32
    %dma_start3A_15 = arith.constant 128 : i32
    %dma_start3A_16 = arith.constant 0 : i32
    %dma_start3A_17 = tpu.memref_slice %arg7[%dma_start3A_15, %dma_start3A_16] : memref<512x128xf32, #tpu.memory_space<vmem>> -> memref<128x128xf32, #tpu.memory_space<vmem>>
    %dma_start3A_18 = arith.constant 0 : i32
    %dma_start3A_19 = tpu.memref_slice %arg6[%dma_start3A_14, %dma_start3A_18] : memref<4x128xi32, #tpu.memory_space<vmem>> -> memref<1x128xi32, #tpu.memory_space<vmem>>
    %dma_start3A_20 = tpu.memref_squeeze %dma_start3A_19 : memref<1x128xi32, #tpu.memory_space<vmem>> -> memref<128xi32, #tpu.memory_space<vmem>>
    %dma_start3A_21 = arith.constant 0 : i32
    %dma_start3A_22 = arith.constant 0 : i32
    %dma_start3A_23 = tpu.memref_slice %arg3[%dma_start3A_21, %dma_start3A_22] : memref<100000x128xf32, #tpu.memory_space<hbm>> -> memref<100000x128xf32, #tpu.memory_space<hbm>>
    tpu.enqueue_indirect_dma source(%dma_start3A_23 : memref<100000x128xf32, #tpu.memory_space<hbm>>) target(%dma_start3A_17 : memref<128x128xf32, #tpu.memory_space<vmem>>) offsets(%dma_start3A_20 : memref<128xi32, #tpu.memory_space<vmem>>) semaphore(%arg12 : memref<!tpu.dma_semaphore, #tpu.memory_space<semaphore_mem>>)
    tpu.enqueue_dma source(%arg4 : memref<528xf32, #tpu.memory_space<hbm>>) target(%arg8 : memref<528xf32, #tpu.memory_space<vmem>>) target_semaphore(%arg13 : memref<!tpu.dma_semaphore, #tpu.memory_space<semaphore_mem>>)
    tpu.wait_dma2 semaphore(%arg13 : memref<!tpu.dma_semaphore, #tpu.memory_space<semaphore_mem>>) src(%arg4 : memref<528xf32, #tpu.memory_space<hbm>>) dst(%arg8 : memref<528xf32, #tpu.memory_space<vmem>>)
    %iota3A = tpu.iota {dimensions = array<i32: 0>} : vector<16xi32>
    %broadcast_in_dim3A = arith.constant 512 : i32
    %broadcast_in_dim3A_24 = vector.broadcast %broadcast_in_dim3A : i32 to vector<16xi32>
    %gather3A = tpu.vector_load_idx %arg8[%broadcast_in_dim3A_24] : memref<528xf32, #tpu.memory_space<vmem>>[vector<16xi32>], vector<16xf32>,
    %broadcast_in_dim3A_25 = arith.constant 513 : i32
    %broadcast_in_dim3A_26 = vector.broadcast %broadcast_in_dim3A_25 : i32 to vector<16xi32>
    %gather3A_27 = tpu.vector_load_idx %arg8[%broadcast_in_dim3A_26] : memref<528xf32, #tpu.memory_space<vmem>>[vector<16xi32>], vector<16xf32>,
    %dma_wait3A = arith.constant 0 : i32
    %dma_wait3A_28 = arith.constant 0 : i32
    %dma_wait3A_29 = arith.constant 0 : i32
    %dma_wait3A_30 = tpu.memref_slice %arg7[%dma_wait3A_28, %dma_wait3A_29] : memref<512x128xf32, #tpu.memory_space<vmem>> -> memref<128x128xf32, #tpu.memory_space<vmem>>
    %dma_wait3A_31 = arith.constant 0 : i32
    %dma_wait3A_32 = tpu.memref_slice %arg6[%dma_wait3A, %dma_wait3A_31] : memref<4x128xi32, #tpu.memory_space<vmem>> -> memref<1x128xi32, #tpu.memory_space<vmem>>
    %dma_wait3A_33 = tpu.memref_squeeze %dma_wait3A_32 : memref<1x128xi32, #tpu.memory_space<vmem>> -> memref<128xi32, #tpu.memory_space<vmem>>
    %dma_wait3A_34 = arith.constant 0 : i32
    %dma_wait3A_35 = arith.constant 0 : i32
    %dma_wait3A_36 = tpu.memref_slice %arg3[%dma_wait3A_34, %dma_wait3A_35] : memref<100000x128xf32, #tpu.memory_space<hbm>> -> memref<100000x128xf32, #tpu.memory_space<hbm>>
    tpu.wait_indirect_dma semaphore(%arg11 : memref<!tpu.dma_semaphore, #tpu.memory_space<semaphore_mem>>) src(%dma_wait3A_36 : memref<100000x128xf32, #tpu.memory_space<hbm>>) dst(%dma_wait3A_30 : memref<128x128xf32, #tpu.memory_space<vmem>>)
    %dma_start3A_37 = arith.constant 2 : i32
    %dma_start3A_38 = arith.constant 256 : i32
    %dma_start3A_39 = arith.constant 0 : i32
    %dma_start3A_40 = tpu.memref_slice %arg7[%dma_start3A_38, %dma_start3A_39] : memref<512x128xf32, #tpu.memory_space<vmem>> -> memref<128x128xf32, #tpu.memory_space<vmem>>
    %dma_start3A_41 = arith.constant 0 : i32
    %dma_start3A_42 = tpu.memref_slice %arg6[%dma_start3A_37, %dma_start3A_41] : memref<4x128xi32, #tpu.memory_space<vmem>> -> memref<1x128xi32, #tpu.memory_space<vmem>>
    %dma_start3A_43 = tpu.memref_squeeze %dma_start3A_42 : memref<1x128xi32, #tpu.memory_space<vmem>> -> memref<128xi32, #tpu.memory_space<vmem>>
    %dma_start3A_44 = arith.constant 0 : i32
    %dma_start3A_45 = arith.constant 0 : i32
    %dma_start3A_46 = tpu.memref_slice %arg3[%dma_start3A_44, %dma_start3A_45] : memref<100000x128xf32, #tpu.memory_space<hbm>> -> memref<100000x128xf32, #tpu.memory_space<hbm>>
    tpu.enqueue_indirect_dma source(%dma_start3A_46 : memref<100000x128xf32, #tpu.memory_space<hbm>>) target(%dma_start3A_40 : memref<128x128xf32, #tpu.memory_space<vmem>>) offsets(%dma_start3A_43 : memref<128xi32, #tpu.memory_space<vmem>>) semaphore(%arg11 : memref<!tpu.dma_semaphore, #tpu.memory_space<semaphore_mem>>)
    %add3A_47 = arith.constant 0 : i32
    %add3A_48 = vector.broadcast %add3A_47 : i32 to vector<16xi32>
    %add3A_49 = arith.addi %add3A_48, %iota3A : vector<16xi32>
    %add3A_50 = arith.constant 16 : i32
    %add3A_51 = vector.broadcast %add3A_50 : i32 to vector<16xi32>
    %add3A_52 = arith.addi %add3A_51, %iota3A : vector<16xi32>
    %add3A_53 = arith.constant 32 : i32
    %add3A_54 = vector.broadcast %add3A_53 : i32 to vector<16xi32>
    %add3A_55 = arith.addi %add3A_54, %iota3A : vector<16xi32>
    %add3A_56 = arith.constant 48 : i32
    %add3A_57 = vector.broadcast %add3A_56 : i32 to vector<16xi32>
    %add3A_58 = arith.addi %add3A_57, %iota3A : vector<16xi32>
    %add3A_59 = arith.constant 64 : i32
    %add3A_60 = vector.broadcast %add3A_59 : i32 to vector<16xi32>
    %add3A_61 = arith.addi %add3A_60, %iota3A : vector<16xi32>
    %add3A_62 = arith.constant 80 : i32
    %add3A_63 = vector.broadcast %add3A_62 : i32 to vector<16xi32>
    %add3A_64 = arith.addi %add3A_63, %iota3A : vector<16xi32>
    %add3A_65 = arith.constant 96 : i32
    %add3A_66 = vector.broadcast %add3A_65 : i32 to vector<16xi32>
    %add3A_67 = arith.addi %add3A_66, %iota3A : vector<16xi32>
    %add3A_68 = arith.constant 112 : i32
    %add3A_69 = vector.broadcast %add3A_68 : i32 to vector<16xi32>
    %add3A_70 = arith.addi %add3A_69, %iota3A : vector<16xi32>
    %broadcast_in_dim3A_71 = arith.constant 0.000000e+00 : f32
    %broadcast_in_dim3A_72 = vector.broadcast %broadcast_in_dim3A_71 : f32 to vector<16xf32>
    %broadcast_in_dim3A_73 = arith.constant 0.000000e+00 : f32
    %broadcast_in_dim3A_74 = vector.broadcast %broadcast_in_dim3A_73 : f32 to vector<16xf32>
    %broadcast_in_dim3A_75 = arith.constant 0.000000e+00 : f32
    %broadcast_in_dim3A_76 = vector.broadcast %broadcast_in_dim3A_75 : f32 to vector<16xf32>
    %broadcast_in_dim3A_77 = arith.constant 0.000000e+00 : f32
    %broadcast_in_dim3A_78 = vector.broadcast %broadcast_in_dim3A_77 : f32 to vector<16xf32>
    %broadcast_in_dim3A_79 = arith.constant 0.000000e+00 : f32
    %broadcast_in_dim3A_80 = vector.broadcast %broadcast_in_dim3A_79 : f32 to vector<16xf32>
    %broadcast_in_dim3A_81 = arith.constant 0.000000e+00 : f32
    %broadcast_in_dim3A_82 = vector.broadcast %broadcast_in_dim3A_81 : f32 to vector<16xf32>
    %broadcast_in_dim3A_83 = arith.constant 0.000000e+00 : f32
    %broadcast_in_dim3A_84 = vector.broadcast %broadcast_in_dim3A_83 : f32 to vector<16xf32>
    %broadcast_in_dim3A_85 = arith.constant 0.000000e+00 : f32
    %broadcast_in_dim3A_86 = vector.broadcast %broadcast_in_dim3A_85 : f32 to vector<16xf32>
    %broadcast_in_dim3A_87 = arith.constant 0.000000e+00 : f32
    %broadcast_in_dim3A_88 = vector.broadcast %broadcast_in_dim3A_87 : f32 to vector<16xf32>
    %broadcast_in_dim3A_89 = arith.constant 0.000000e+00 : f32
    %broadcast_in_dim3A_90 = vector.broadcast %broadcast_in_dim3A_89 : f32 to vector<16xf32>
    %broadcast_in_dim3A_91 = arith.constant 0.000000e+00 : f32
    %broadcast_in_dim3A_92 = vector.broadcast %broadcast_in_dim3A_91 : f32 to vector<16xf32>
    %broadcast_in_dim3A_93 = arith.constant 0.000000e+00 : f32
    %broadcast_in_dim3A_94 = vector.broadcast %broadcast_in_dim3A_93 : f32 to vector<16xf32>
    %broadcast_in_dim3A_95 = arith.constant 0.000000e+00 : f32
    %broadcast_in_dim3A_96 = vector.broadcast %broadcast_in_dim3A_95 : f32 to vector<16xf32>
    %broadcast_in_dim3A_97 = arith.constant 0.000000e+00 : f32
    %broadcast_in_dim3A_98 = vector.broadcast %broadcast_in_dim3A_97 : f32 to vector<16xf32>
    %broadcast_in_dim3A_99 = arith.constant 0.000000e+00 : f32
    %broadcast_in_dim3A_100 = vector.broadcast %broadcast_in_dim3A_99 : f32 to vector<16xf32>
    %broadcast_in_dim3A_101 = arith.constant 0.000000e+00 : f32
    %broadcast_in_dim3A_102 = vector.broadcast %broadcast_in_dim3A_101 : f32 to vector<16xf32>
    %scan3A = arith.constant 0 : i32
    %scan3A_103 = arith.constant 128 : i32
    %scan3A_104 = arith.addi %scan3A, %scan3A_103 : i32
    %scan3A_105 = arith.constant 2 : i32
    %scan3A_106:16 = scf.for %scan3A_545 = %scan3A to %scan3A_104 step %scan3A_105 iter_args(%scan3A_546 = %broadcast_in_dim3A_72, %scan3A_547 = %broadcast_in_dim3A_74, %scan3A_548 = %broadcast_in_dim3A_76, %scan3A_549 = %broadcast_in_dim3A_78, %scan3A_550 = %broadcast_in_dim3A_80, %scan3A_551 = %broadcast_in_dim3A_82, %scan3A_552 = %broadcast_in_dim3A_84, %scan3A_553 = %broadcast_in_dim3A_86, %scan3A_554 = %broadcast_in_dim3A_88, %scan3A_555 = %broadcast_in_dim3A_90, %scan3A_556 = %broadcast_in_dim3A_92, %scan3A_557 = %broadcast_in_dim3A_94, %scan3A_558 = %broadcast_in_dim3A_96, %scan3A_559 = %broadcast_in_dim3A_98, %scan3A_560 = %broadcast_in_dim3A_100, %scan3A_561 = %broadcast_in_dim3A_102) -> (vector<16xf32>, vector<16xf32>, vector<16xf32>, vector<16xf32>, vector<16xf32>, vector<16xf32>, vector<16xf32>, vector<16xf32>, vector<16xf32>, vector<16xf32>, vector<16xf32>, vector<16xf32>, vector<16xf32>, vector<16xf32>, vector<16xf32>, vector<16xf32>)  : i32 {
      %add3A_562 = vector.broadcast %scan3A_545 : i32 to vector<16xi32>
      %add3A_563 = arith.addi %iota3A, %add3A_562 : vector<16xi32>
      %and3A = arith.constant 127 : i32
      %and3A_564 = vector.broadcast %and3A : i32 to vector<16xi32>
      %and3A_565 = arith.andi %add3A_563, %and3A_564 : vector<16xi32>
      %get3A = arith.index_cast %scan3A_545 : i32 to index
      %get3A_566 = tpu.vector_load %arg8[%get3A] {strides = array<i32>} : memref<528xf32, #tpu.memory_space<vmem>>, vector<16xf32>,
      %add3A_567 = arith.constant 256 : i32
      %add3A_568 = arith.addi %scan3A_545, %add3A_567 : i32
      %get3A_569 = arith.index_cast %add3A_568 : i32 to index
      %get3A_570 = tpu.vector_load %arg8[%get3A_569] {strides = array<i32>} : memref<528xf32, #tpu.memory_space<vmem>>, vector<16xf32>,
      %gather3A_571 = tpu.vector_load_idx %arg7[%add3A_49, %and3A_565] : memref<512x128xf32, #tpu.memory_space<vmem>>[vector<16xi32>, vector<16xi32>], vector<16xf32>,
      %mul3A_572 = arith.mulf %gather3A_571, %get3A_566 : vector<16xf32>
      %add3A_573 = arith.addf %scan3A_546, %mul3A_572 : vector<16xf32>
      %mul3A_574 = arith.mulf %gather3A_571, %get3A_570 : vector<16xf32>
      %add3A_575 = arith.addf %scan3A_547, %mul3A_574 : vector<16xf32>
      %gather3A_576 = tpu.vector_load_idx %arg7[%add3A_52, %and3A_565] : memref<512x128xf32, #tpu.memory_space<vmem>>[vector<16xi32>, vector<16xi32>], vector<16xf32>,
      %mul3A_577 = arith.mulf %gather3A_576, %get3A_566 : vector<16xf32>
      %add3A_578 = arith.addf %scan3A_548, %mul3A_577 : vector<16xf32>
      %mul3A_579 = arith.mulf %gather3A_576, %get3A_570 : vector<16xf32>
      %add3A_580 = arith.addf %scan3A_549, %mul3A_579 : vector<16xf32>
      %gather3A_581 = tpu.vector_load_idx %arg7[%add3A_55, %and3A_565] : memref<512x128xf32, #tpu.memory_space<vmem>>[vector<16xi32>, vector<16xi32>], vector<16xf32>,
      %mul3A_582 = arith.mulf %gather3A_581, %get3A_566 : vector<16xf32>
      %add3A_583 = arith.addf %scan3A_550, %mul3A_582 : vector<16xf32>
      %mul3A_584 = arith.mulf %gather3A_581, %get3A_570 : vector<16xf32>
      %add3A_585 = arith.addf %scan3A_551, %mul3A_584 : vector<16xf32>
      %gather3A_586 = tpu.vector_load_idx %arg7[%add3A_58, %and3A_565] : memref<512x128xf32, #tpu.memory_space<vmem>>[vector<16xi32>, vector<16xi32>], vector<16xf32>,
      %mul3A_587 = arith.mulf %gather3A_586, %get3A_566 : vector<16xf32>
      %add3A_588 = arith.addf %scan3A_552, %mul3A_587 : vector<16xf32>
      %mul3A_589 = arith.mulf %gather3A_586, %get3A_570 : vector<16xf32>
      %add3A_590 = arith.addf %scan3A_553, %mul3A_589 : vector<16xf32>
      %gather3A_591 = tpu.vector_load_idx %arg7[%add3A_61, %and3A_565] : memref<512x128xf32, #tpu.memory_space<vmem>>[vector<16xi32>, vector<16xi32>], vector<16xf32>,
      %mul3A_592 = arith.mulf %gather3A_591, %get3A_566 : vector<16xf32>
      %add3A_593 = arith.addf %scan3A_554, %mul3A_592 : vector<16xf32>
      %mul3A_594 = arith.mulf %gather3A_591, %get3A_570 : vector<16xf32>
      %add3A_595 = arith.addf %scan3A_555, %mul3A_594 : vector<16xf32>
      %gather3A_596 = tpu.vector_load_idx %arg7[%add3A_64, %and3A_565] : memref<512x128xf32, #tpu.memory_space<vmem>>[vector<16xi32>, vector<16xi32>], vector<16xf32>,
      %mul3A_597 = arith.mulf %gather3A_596, %get3A_566 : vector<16xf32>
      %add3A_598 = arith.addf %scan3A_556, %mul3A_597 : vector<16xf32>
      %mul3A_599 = arith.mulf %gather3A_596, %get3A_570 : vector<16xf32>
      %add3A_600 = arith.addf %scan3A_557, %mul3A_599 : vector<16xf32>
      %gather3A_601 = tpu.vector_load_idx %arg7[%add3A_67, %and3A_565] : memref<512x128xf32, #tpu.memory_space<vmem>>[vector<16xi32>, vector<16xi32>], vector<16xf32>,
      %mul3A_602 = arith.mulf %gather3A_601, %get3A_566 : vector<16xf32>
      %add3A_603 = arith.addf %scan3A_558, %mul3A_602 : vector<16xf32>
      %mul3A_604 = arith.mulf %gather3A_601, %get3A_570 : vector<16xf32>
      %add3A_605 = arith.addf %scan3A_559, %mul3A_604 : vector<16xf32>
      %gather3A_606 = tpu.vector_load_idx %arg7[%add3A_70, %and3A_565] : memref<512x128xf32, #tpu.memory_space<vmem>>[vector<16xi32>, vector<16xi32>], vector<16xf32>,
      %mul3A_607 = arith.mulf %gather3A_606, %get3A_566 : vector<16xf32>
      %add3A_608 = arith.addf %scan3A_560, %mul3A_607 : vector<16xf32>
      %mul3A_609 = arith.mulf %gather3A_606, %get3A_570 : vector<16xf32>
      %add3A_610 = arith.addf %scan3A_561, %mul3A_609 : vector<16xf32>
      %scan3A_611 = arith.constant 1 : i32
      %scan3A_612 = arith.addi %scan3A_545, %scan3A_611 : i32
      %add3A_613 = vector.broadcast %scan3A_612 : i32 to vector<16xi32>
      %add3A_614 = arith.addi %iota3A, %add3A_613 : vector<16xi32>
      %and3A_615 = arith.constant 127 : i32
      %and3A_616 = vector.broadcast %and3A_615 : i32 to vector<16xi32>
      %and3A_617 = arith.andi %add3A_614, %and3A_616 : vector<16xi32>
      %get3A_618 = arith.index_cast %scan3A_612 : i32 to index
      %get3A_619 = tpu.vector_load %arg8[%get3A_618] {strides = array<i32>} : memref<528xf32, #tpu.memory_space<vmem>>, vector<16xf32>,
      %add3A_620 = arith.constant 256 : i32
      %add3A_621 = arith.addi %scan3A_612, %add3A_620 : i32
      %get3A_622 = arith.index_cast %add3A_621 : i32 to index
      %get3A_623 = tpu.vector_load %arg8[%get3A_622] {strides = array<i32>} : memref<528xf32, #tpu.memory_space<vmem>>, vector<16xf32>,
      %gather3A_624 = tpu.vector_load_idx %arg7[%add3A_49, %and3A_617] : memref<512x128xf32, #tpu.memory_space<vmem>>[vector<16xi32>, vector<16xi32>], vector<16xf32>,
      %mul3A_625 = arith.mulf %gather3A_624, %get3A_619 : vector<16xf32>
      %add3A_626 = arith.addf %add3A_573, %mul3A_625 : vector<16xf32>
      %mul3A_627 = arith.mulf %gather3A_624, %get3A_623 : vector<16xf32>
      %add3A_628 = arith.addf %add3A_575, %mul3A_627 : vector<16xf32>
      %gather3A_629 = tpu.vector_load_idx %arg7[%add3A_52, %and3A_617] : memref<512x128xf32, #tpu.memory_space<vmem>>[vector<16xi32>, vector<16xi32>], vector<16xf32>,
      %mul3A_630 = arith.mulf %gather3A_629, %get3A_619 : vector<16xf32>
      %add3A_631 = arith.addf %add3A_578, %mul3A_630 : vector<16xf32>
      %mul3A_632 = arith.mulf %gather3A_629, %get3A_623 : vector<16xf32>
      %add3A_633 = arith.addf %add3A_580, %mul3A_632 : vector<16xf32>
      %gather3A_634 = tpu.vector_load_idx %arg7[%add3A_55, %and3A_617] : memref<512x128xf32, #tpu.memory_space<vmem>>[vector<16xi32>, vector<16xi32>], vector<16xf32>,
      %mul3A_635 = arith.mulf %gather3A_634, %get3A_619 : vector<16xf32>
      %add3A_636 = arith.addf %add3A_583, %mul3A_635 : vector<16xf32>
      %mul3A_637 = arith.mulf %gather3A_634, %get3A_623 : vector<16xf32>
      %add3A_638 = arith.addf %add3A_585, %mul3A_637 : vector<16xf32>
      %gather3A_639 = tpu.vector_load_idx %arg7[%add3A_58, %and3A_617] : memref<512x128xf32, #tpu.memory_space<vmem>>[vector<16xi32>, vector<16xi32>], vector<16xf32>,
      %mul3A_640 = arith.mulf %gather3A_639, %get3A_619 : vector<16xf32>
      %add3A_641 = arith.addf %add3A_588, %mul3A_640 : vector<16xf32>
      %mul3A_642 = arith.mulf %gather3A_639, %get3A_623 : vector<16xf32>
      %add3A_643 = arith.addf %add3A_590, %mul3A_642 : vector<16xf32>
      %gather3A_644 = tpu.vector_load_idx %arg7[%add3A_61, %and3A_617] : memref<512x128xf32, #tpu.memory_space<vmem>>[vector<16xi32>, vector<16xi32>], vector<16xf32>,
      %mul3A_645 = arith.mulf %gather3A_644, %get3A_619 : vector<16xf32>
      %add3A_646 = arith.addf %add3A_593, %mul3A_645 : vector<16xf32>
      %mul3A_647 = arith.mulf %gather3A_644, %get3A_623 : vector<16xf32>
      %add3A_648 = arith.addf %add3A_595, %mul3A_647 : vector<16xf32>
      %gather3A_649 = tpu.vector_load_idx %arg7[%add3A_64, %and3A_617] : memref<512x128xf32, #tpu.memory_space<vmem>>[vector<16xi32>, vector<16xi32>], vector<16xf32>,
      %mul3A_650 = arith.mulf %gather3A_649, %get3A_619 : vector<16xf32>
      %add3A_651 = arith.addf %add3A_598, %mul3A_650 : vector<16xf32>
      %mul3A_652 = arith.mulf %gather3A_649, %get3A_623 : vector<16xf32>
      %add3A_653 = arith.addf %add3A_600, %mul3A_652 : vector<16xf32>
      %gather3A_654 = tpu.vector_load_idx %arg7[%add3A_67, %and3A_617] : memref<512x128xf32, #tpu.memory_space<vmem>>[vector<16xi32>, vector<16xi32>], vector<16xf32>,
      %mul3A_655 = arith.mulf %gather3A_654, %get3A_619 : vector<16xf32>
      %add3A_656 = arith.addf %add3A_603, %mul3A_655 : vector<16xf32>
      %mul3A_657 = arith.mulf %gather3A_654, %get3A_623 : vector<16xf32>
      %add3A_658 = arith.addf %add3A_605, %mul3A_657 : vector<16xf32>
      %gather3A_659 = tpu.vector_load_idx %arg7[%add3A_70, %and3A_617] : memref<512x128xf32, #tpu.memory_space<vmem>>[vector<16xi32>, vector<16xi32>], vector<16xf32>,
      %mul3A_660 = arith.mulf %gather3A_659, %get3A_619 : vector<16xf32>
      %add3A_661 = arith.addf %add3A_608, %mul3A_660 : vector<16xf32>
      %mul3A_662 = arith.mulf %gather3A_659, %get3A_623 : vector<16xf32>
      %add3A_663 = arith.addf %add3A_610, %mul3A_662 : vector<16xf32>
      scf.yield %add3A_626, %add3A_628, %add3A_631, %add3A_633, %add3A_636, %add3A_638, %add3A_641, %add3A_643, %add3A_646, %add3A_648, %add3A_651, %add3A_653, %add3A_656, %add3A_658, %add3A_661, %add3A_663 : vector<16xf32>, vector<16xf32>, vector<16xf32>, vector<16xf32>, vector<16xf32>, vector<16xf32>, vector<16xf32>, vector<16xf32>, vector<16xf32>, vector<16xf32>, vector<16xf32>, vector<16xf32>, vector<16xf32>, vector<16xf32>, vector<16xf32>, vector<16xf32>
    }
    %scan3A_107 = arith.constant 128 : i32
    %add3A_108 = arith.addf %scan3A_106#0, %gather3A : vector<16xf32>
    %swap3A = arith.constant 0 : index
    %swap3A_109 = tpu.vector_load %arg9[%swap3A] {strides = array<i32>} : memref<512xf32, #tpu.memory_space<vmem>>, vector<16xf32>,
    tpu.vector_store %arg9[%swap3A], %add3A_108 {strides = array<i32>} : memref<512xf32, #tpu.memory_space<vmem>>, vector<16xf32>,
    %add3A_110 = arith.addf %scan3A_106#1, %gather3A_27 : vector<16xf32>
    %swap3A_111 = arith.constant 0 : index
    %swap3A_112 = tpu.vector_load %arg10[%swap3A_111] {strides = array<i32>} : memref<512xf32, #tpu.memory_space<vmem>>, vector<16xf32>,
    tpu.vector_store %arg10[%swap3A_111], %add3A_110 {strides = array<i32>} : memref<512xf32, #tpu.memory_space<vmem>>, vector<16xf32>,
    %add3A_113 = arith.addf %scan3A_106#2, %gather3A : vector<16xf32>
    %swap3A_114 = arith.constant 16 : index
    %swap3A_115 = tpu.vector_load %arg9[%swap3A_114] {strides = array<i32>} : memref<512xf32, #tpu.memory_space<vmem>>, vector<16xf32>,
    tpu.vector_store %arg9[%swap3A_114], %add3A_113 {strides = array<i32>} : memref<512xf32, #tpu.memory_space<vmem>>, vector<16xf32>,
    %add3A_116 = arith.addf %scan3A_106#3, %gather3A_27 : vector<16xf32>
    %swap3A_117 = arith.constant 16 : index
    %swap3A_118 = tpu.vector_load %arg10[%swap3A_117] {strides = array<i32>} : memref<512xf32, #tpu.memory_space<vmem>>, vector<16xf32>,
    tpu.vector_store %arg10[%swap3A_117], %add3A_116 {strides = array<i32>} : memref<512xf32, #tpu.memory_space<vmem>>, vector<16xf32>,
    %add3A_119 = arith.addf %scan3A_106#4, %gather3A : vector<16xf32>
    %swap3A_120 = arith.constant 32 : index
    %swap3A_121 = tpu.vector_load %arg9[%swap3A_120] {strides = array<i32>} : memref<512xf32, #tpu.memory_space<vmem>>, vector<16xf32>,
    tpu.vector_store %arg9[%swap3A_120], %add3A_119 {strides = array<i32>} : memref<512xf32, #tpu.memory_space<vmem>>, vector<16xf32>,
    %add3A_122 = arith.addf %scan3A_106#5, %gather3A_27 : vector<16xf32>
    %swap3A_123 = arith.constant 32 : index
    %swap3A_124 = tpu.vector_load %arg10[%swap3A_123] {strides = array<i32>} : memref<512xf32, #tpu.memory_space<vmem>>, vector<16xf32>,
    tpu.vector_store %arg10[%swap3A_123], %add3A_122 {strides = array<i32>} : memref<512xf32, #tpu.memory_space<vmem>>, vector<16xf32>,
    %add3A_125 = arith.addf %scan3A_106#6, %gather3A : vector<16xf32>
    %swap3A_126 = arith.constant 48 : index
    %swap3A_127 = tpu.vector_load %arg9[%swap3A_126] {strides = array<i32>} : memref<512xf32, #tpu.memory_space<vmem>>, vector<16xf32>,
    tpu.vector_store %arg9[%swap3A_126], %add3A_125 {strides = array<i32>} : memref<512xf32, #tpu.memory_space<vmem>>, vector<16xf32>,
    %add3A_128 = arith.addf %scan3A_106#7, %gather3A_27 : vector<16xf32>
    %swap3A_129 = arith.constant 48 : index
    %swap3A_130 = tpu.vector_load %arg10[%swap3A_129] {strides = array<i32>} : memref<512xf32, #tpu.memory_space<vmem>>, vector<16xf32>,
    tpu.vector_store %arg10[%swap3A_129], %add3A_128 {strides = array<i32>} : memref<512xf32, #tpu.memory_space<vmem>>, vector<16xf32>,
    %add3A_131 = arith.addf %scan3A_106#8, %gather3A : vector<16xf32>
    %swap3A_132 = arith.constant 64 : index
    %swap3A_133 = tpu.vector_load %arg9[%swap3A_132] {strides = array<i32>} : memref<512xf32, #tpu.memory_space<vmem>>, vector<16xf32>,
    tpu.vector_store %arg9[%swap3A_132], %add3A_131 {strides = array<i32>} : memref<512xf32, #tpu.memory_space<vmem>>, vector<16xf32>,
    %add3A_134 = arith.addf %scan3A_106#9, %gather3A_27 : vector<16xf32>
    %swap3A_135 = arith.constant 64 : index
    %swap3A_136 = tpu.vector_load %arg10[%swap3A_135] {strides = array<i32>} : memref<512xf32, #tpu.memory_space<vmem>>, vector<16xf32>,
    tpu.vector_store %arg10[%swap3A_135], %add3A_134 {strides = array<i32>} : memref<512xf32, #tpu.memory_space<vmem>>, vector<16xf32>,
    %add3A_137 = arith.addf %scan3A_106#10, %gather3A : vector<16xf32>
    %swap3A_138 = arith.constant 80 : index
    %swap3A_139 = tpu.vector_load %arg9[%swap3A_138] {strides = array<i32>} : memref<512xf32, #tpu.memory_space<vmem>>, vector<16xf32>,
    tpu.vector_store %arg9[%swap3A_138], %add3A_137 {strides = array<i32>} : memref<512xf32, #tpu.memory_space<vmem>>, vector<16xf32>,
    %add3A_140 = arith.addf %scan3A_106#11, %gather3A_27 : vector<16xf32>
    %swap3A_141 = arith.constant 80 : index
    %swap3A_142 = tpu.vector_load %arg10[%swap3A_141] {strides = array<i32>} : memref<512xf32, #tpu.memory_space<vmem>>, vector<16xf32>,
    tpu.vector_store %arg10[%swap3A_141], %add3A_140 {strides = array<i32>} : memref<512xf32, #tpu.memory_space<vmem>>, vector<16xf32>,
    %add3A_143 = arith.addf %scan3A_106#12, %gather3A : vector<16xf32>
    %swap3A_144 = arith.constant 96 : index
    %swap3A_145 = tpu.vector_load %arg9[%swap3A_144] {strides = array<i32>} : memref<512xf32, #tpu.memory_space<vmem>>, vector<16xf32>,
    tpu.vector_store %arg9[%swap3A_144], %add3A_143 {strides = array<i32>} : memref<512xf32, #tpu.memory_space<vmem>>, vector<16xf32>,
    %add3A_146 = arith.addf %scan3A_106#13, %gather3A_27 : vector<16xf32>
    %swap3A_147 = arith.constant 96 : index
    %swap3A_148 = tpu.vector_load %arg10[%swap3A_147] {strides = array<i32>} : memref<512xf32, #tpu.memory_space<vmem>>, vector<16xf32>,
    tpu.vector_store %arg10[%swap3A_147], %add3A_146 {strides = array<i32>} : memref<512xf32, #tpu.memory_space<vmem>>, vector<16xf32>,
    %add3A_149 = arith.addf %scan3A_106#14, %gather3A : vector<16xf32>
    %swap3A_150 = arith.constant 112 : index
    %swap3A_151 = tpu.vector_load %arg9[%swap3A_150] {strides = array<i32>} : memref<512xf32, #tpu.memory_space<vmem>>, vector<16xf32>,
    tpu.vector_store %arg9[%swap3A_150], %add3A_149 {strides = array<i32>} : memref<512xf32, #tpu.memory_space<vmem>>, vector<16xf32>,
    %add3A_152 = arith.addf %scan3A_106#15, %gather3A_27 : vector<16xf32>
    %swap3A_153 = arith.constant 112 : index
    %swap3A_154 = tpu.vector_load %arg10[%swap3A_153] {strides = array<i32>} : memref<512xf32, #tpu.memory_space<vmem>>, vector<16xf32>,
    tpu.vector_store %arg10[%swap3A_153], %add3A_152 {strides = array<i32>} : memref<512xf32, #tpu.memory_space<vmem>>, vector<16xf32>,
    %dma_wait3A_155 = arith.constant 1 : i32
    %dma_wait3A_156 = arith.constant 128 : i32
    %dma_wait3A_157 = arith.constant 0 : i32
    %dma_wait3A_158 = tpu.memref_slice %arg7[%dma_wait3A_156, %dma_wait3A_157] : memref<512x128xf32, #tpu.memory_space<vmem>> -> memref<128x128xf32, #tpu.memory_space<vmem>>
    %dma_wait3A_159 = arith.constant 0 : i32
    %dma_wait3A_160 = tpu.memref_slice %arg6[%dma_wait3A_155, %dma_wait3A_159] : memref<4x128xi32, #tpu.memory_space<vmem>> -> memref<1x128xi32, #tpu.memory_space<vmem>>
    %dma_wait3A_161 = tpu.memref_squeeze %dma_wait3A_160 : memref<1x128xi32, #tpu.memory_space<vmem>> -> memref<128xi32, #tpu.memory_space<vmem>>
    %dma_wait3A_162 = arith.constant 0 : i32
    %dma_wait3A_163 = arith.constant 0 : i32
    %dma_wait3A_164 = tpu.memref_slice %arg3[%dma_wait3A_162, %dma_wait3A_163] : memref<100000x128xf32, #tpu.memory_space<hbm>> -> memref<100000x128xf32, #tpu.memory_space<hbm>>
    tpu.wait_indirect_dma semaphore(%arg12 : memref<!tpu.dma_semaphore, #tpu.memory_space<semaphore_mem>>) src(%dma_wait3A_164 : memref<100000x128xf32, #tpu.memory_space<hbm>>) dst(%dma_wait3A_158 : memref<128x128xf32, #tpu.memory_space<vmem>>)
    %dma_start3A_165 = arith.constant 3 : i32
    %dma_start3A_166 = arith.constant 384 : i32
    %dma_start3A_167 = arith.constant 0 : i32
    %dma_start3A_168 = tpu.memref_slice %arg7[%dma_start3A_166, %dma_start3A_167] : memref<512x128xf32, #tpu.memory_space<vmem>> -> memref<128x128xf32, #tpu.memory_space<vmem>>
    %dma_start3A_169 = arith.constant 0 : i32
    %dma_start3A_170 = tpu.memref_slice %arg6[%dma_start3A_165, %dma_start3A_169] : memref<4x128xi32, #tpu.memory_space<vmem>> -> memref<1x128xi32, #tpu.memory_space<vmem>>
    %dma_start3A_171 = tpu.memref_squeeze %dma_start3A_170 : memref<1x128xi32, #tpu.memory_space<vmem>> -> memref<128xi32, #tpu.memory_space<vmem>>
    %dma_start3A_172 = arith.constant 0 : i32
    %dma_start3A_173 = arith.constant 0 : i32
    %dma_start3A_174 = tpu.memref_slice %arg3[%dma_start3A_172, %dma_start3A_173] : memref<100000x128xf32, #tpu.memory_space<hbm>> -> memref<100000x128xf32, #tpu.memory_space<hbm>>
    tpu.enqueue_indirect_dma source(%dma_start3A_174 : memref<100000x128xf32, #tpu.memory_space<hbm>>) target(%dma_start3A_168 : memref<128x128xf32, #tpu.memory_space<vmem>>) offsets(%dma_start3A_171 : memref<128xi32, #tpu.memory_space<vmem>>) semaphore(%arg12 : memref<!tpu.dma_semaphore, #tpu.memory_space<semaphore_mem>>)
    %add3A_175 = arith.constant 128 : i32
    %add3A_176 = vector.broadcast %add3A_175 : i32 to vector<16xi32>
    %add3A_177 = arith.addi %add3A_176, %iota3A : vector<16xi32>
    %add3A_178 = arith.constant 144 : i32
    %add3A_179 = vector.broadcast %add3A_178 : i32 to vector<16xi32>
    %add3A_180 = arith.addi %add3A_179, %iota3A : vector<16xi32>
    %add3A_181 = arith.constant 160 : i32
    %add3A_182 = vector.broadcast %add3A_181 : i32 to vector<16xi32>
    %add3A_183 = arith.addi %add3A_182, %iota3A : vector<16xi32>
    %add3A_184 = arith.constant 176 : i32
    %add3A_185 = vector.broadcast %add3A_184 : i32 to vector<16xi32>
    %add3A_186 = arith.addi %add3A_185, %iota3A : vector<16xi32>
    %add3A_187 = arith.constant 192 : i32
    %add3A_188 = vector.broadcast %add3A_187 : i32 to vector<16xi32>
    %add3A_189 = arith.addi %add3A_188, %iota3A : vector<16xi32>
    %add3A_190 = arith.constant 208 : i32
    %add3A_191 = vector.broadcast %add3A_190 : i32 to vector<16xi32>
    %add3A_192 = arith.addi %add3A_191, %iota3A : vector<16xi32>
    %add3A_193 = arith.constant 224 : i32
    %add3A_194 = vector.broadcast %add3A_193 : i32 to vector<16xi32>
    %add3A_195 = arith.addi %add3A_194, %iota3A : vector<16xi32>
    %add3A_196 = arith.constant 240 : i32
    %add3A_197 = vector.broadcast %add3A_196 : i32 to vector<16xi32>
    %add3A_198 = arith.addi %add3A_197, %iota3A : vector<16xi32>
    %broadcast_in_dim3A_199 = arith.constant 0.000000e+00 : f32
    %broadcast_in_dim3A_200 = vector.broadcast %broadcast_in_dim3A_199 : f32 to vector<16xf32>
    %broadcast_in_dim3A_201 = arith.constant 0.000000e+00 : f32
    %broadcast_in_dim3A_202 = vector.broadcast %broadcast_in_dim3A_201 : f32 to vector<16xf32>
    %broadcast_in_dim3A_203 = arith.constant 0.000000e+00 : f32
    %broadcast_in_dim3A_204 = vector.broadcast %broadcast_in_dim3A_203 : f32 to vector<16xf32>
    %broadcast_in_dim3A_205 = arith.constant 0.000000e+00 : f32
    %broadcast_in_dim3A_206 = vector.broadcast %broadcast_in_dim3A_205 : f32 to vector<16xf32>
    %broadcast_in_dim3A_207 = arith.constant 0.000000e+00 : f32
    %broadcast_in_dim3A_208 = vector.broadcast %broadcast_in_dim3A_207 : f32 to vector<16xf32>
    %broadcast_in_dim3A_209 = arith.constant 0.000000e+00 : f32
    %broadcast_in_dim3A_210 = vector.broadcast %broadcast_in_dim3A_209 : f32 to vector<16xf32>
    %broadcast_in_dim3A_211 = arith.constant 0.000000e+00 : f32
    %broadcast_in_dim3A_212 = vector.broadcast %broadcast_in_dim3A_211 : f32 to vector<16xf32>
    %broadcast_in_dim3A_213 = arith.constant 0.000000e+00 : f32
    %broadcast_in_dim3A_214 = vector.broadcast %broadcast_in_dim3A_213 : f32 to vector<16xf32>
    %broadcast_in_dim3A_215 = arith.constant 0.000000e+00 : f32
    %broadcast_in_dim3A_216 = vector.broadcast %broadcast_in_dim3A_215 : f32 to vector<16xf32>
    %broadcast_in_dim3A_217 = arith.constant 0.000000e+00 : f32
    %broadcast_in_dim3A_218 = vector.broadcast %broadcast_in_dim3A_217 : f32 to vector<16xf32>
    %broadcast_in_dim3A_219 = arith.constant 0.000000e+00 : f32
    %broadcast_in_dim3A_220 = vector.broadcast %broadcast_in_dim3A_219 : f32 to vector<16xf32>
    %broadcast_in_dim3A_221 = arith.constant 0.000000e+00 : f32
    %broadcast_in_dim3A_222 = vector.broadcast %broadcast_in_dim3A_221 : f32 to vector<16xf32>
    %broadcast_in_dim3A_223 = arith.constant 0.000000e+00 : f32
    %broadcast_in_dim3A_224 = vector.broadcast %broadcast_in_dim3A_223 : f32 to vector<16xf32>
    %broadcast_in_dim3A_225 = arith.constant 0.000000e+00 : f32
    %broadcast_in_dim3A_226 = vector.broadcast %broadcast_in_dim3A_225 : f32 to vector<16xf32>
    %broadcast_in_dim3A_227 = arith.constant 0.000000e+00 : f32
    %broadcast_in_dim3A_228 = vector.broadcast %broadcast_in_dim3A_227 : f32 to vector<16xf32>
    %broadcast_in_dim3A_229 = arith.constant 0.000000e+00 : f32
    %broadcast_in_dim3A_230 = vector.broadcast %broadcast_in_dim3A_229 : f32 to vector<16xf32>
    %scan3A_231 = arith.constant 0 : i32
    %scan3A_232 = arith.constant 128 : i32
    %scan3A_233 = arith.addi %scan3A_231, %scan3A_232 : i32
    %scan3A_234 = arith.constant 2 : i32
    %scan3A_235:16 = scf.for %scan3A_545 = %scan3A_231 to %scan3A_233 step %scan3A_234 iter_args(%scan3A_546 = %broadcast_in_dim3A_200, %scan3A_547 = %broadcast_in_dim3A_202, %scan3A_548 = %broadcast_in_dim3A_204, %scan3A_549 = %broadcast_in_dim3A_206, %scan3A_550 = %broadcast_in_dim3A_208, %scan3A_551 = %broadcast_in_dim3A_210, %scan3A_552 = %broadcast_in_dim3A_212, %scan3A_553 = %broadcast_in_dim3A_214, %scan3A_554 = %broadcast_in_dim3A_216, %scan3A_555 = %broadcast_in_dim3A_218, %scan3A_556 = %broadcast_in_dim3A_220, %scan3A_557 = %broadcast_in_dim3A_222, %scan3A_558 = %broadcast_in_dim3A_224, %scan3A_559 = %broadcast_in_dim3A_226, %scan3A_560 = %broadcast_in_dim3A_228, %scan3A_561 = %broadcast_in_dim3A_230) -> (vector<16xf32>, vector<16xf32>, vector<16xf32>, vector<16xf32>, vector<16xf32>, vector<16xf32>, vector<16xf32>, vector<16xf32>, vector<16xf32>, vector<16xf32>, vector<16xf32>, vector<16xf32>, vector<16xf32>, vector<16xf32>, vector<16xf32>, vector<16xf32>)  : i32 {
      %add3A_562 = vector.broadcast %scan3A_545 : i32 to vector<16xi32>
      %add3A_563 = arith.addi %iota3A, %add3A_562 : vector<16xi32>
      %and3A = arith.constant 127 : i32
      %and3A_564 = vector.broadcast %and3A : i32 to vector<16xi32>
      %and3A_565 = arith.andi %add3A_563, %and3A_564 : vector<16xi32>
      %get3A = arith.index_cast %scan3A_545 : i32 to index
      %get3A_566 = tpu.vector_load %arg8[%get3A] {strides = array<i32>} : memref<528xf32, #tpu.memory_space<vmem>>, vector<16xf32>,
      %add3A_567 = arith.constant 256 : i32
      %add3A_568 = arith.addi %scan3A_545, %add3A_567 : i32
      %get3A_569 = arith.index_cast %add3A_568 : i32 to index
      %get3A_570 = tpu.vector_load %arg8[%get3A_569] {strides = array<i32>} : memref<528xf32, #tpu.memory_space<vmem>>, vector<16xf32>,
      %gather3A_571 = tpu.vector_load_idx %arg7[%add3A_177, %and3A_565] : memref<512x128xf32, #tpu.memory_space<vmem>>[vector<16xi32>, vector<16xi32>], vector<16xf32>,
      %mul3A_572 = arith.mulf %gather3A_571, %get3A_566 : vector<16xf32>
      %add3A_573 = arith.addf %scan3A_546, %mul3A_572 : vector<16xf32>
      %mul3A_574 = arith.mulf %gather3A_571, %get3A_570 : vector<16xf32>
      %add3A_575 = arith.addf %scan3A_547, %mul3A_574 : vector<16xf32>
      %gather3A_576 = tpu.vector_load_idx %arg7[%add3A_180, %and3A_565] : memref<512x128xf32, #tpu.memory_space<vmem>>[vector<16xi32>, vector<16xi32>], vector<16xf32>,
      %mul3A_577 = arith.mulf %gather3A_576, %get3A_566 : vector<16xf32>
      %add3A_578 = arith.addf %scan3A_548, %mul3A_577 : vector<16xf32>
      %mul3A_579 = arith.mulf %gather3A_576, %get3A_570 : vector<16xf32>
      %add3A_580 = arith.addf %scan3A_549, %mul3A_579 : vector<16xf32>
      %gather3A_581 = tpu.vector_load_idx %arg7[%add3A_183, %and3A_565] : memref<512x128xf32, #tpu.memory_space<vmem>>[vector<16xi32>, vector<16xi32>], vector<16xf32>,
      %mul3A_582 = arith.mulf %gather3A_581, %get3A_566 : vector<16xf32>
      %add3A_583 = arith.addf %scan3A_550, %mul3A_582 : vector<16xf32>
      %mul3A_584 = arith.mulf %gather3A_581, %get3A_570 : vector<16xf32>
      %add3A_585 = arith.addf %scan3A_551, %mul3A_584 : vector<16xf32>
      %gather3A_586 = tpu.vector_load_idx %arg7[%add3A_186, %and3A_565] : memref<512x128xf32, #tpu.memory_space<vmem>>[vector<16xi32>, vector<16xi32>], vector<16xf32>,
      %mul3A_587 = arith.mulf %gather3A_586, %get3A_566 : vector<16xf32>
      %add3A_588 = arith.addf %scan3A_552, %mul3A_587 : vector<16xf32>
      %mul3A_589 = arith.mulf %gather3A_586, %get3A_570 : vector<16xf32>
      %add3A_590 = arith.addf %scan3A_553, %mul3A_589 : vector<16xf32>
      %gather3A_591 = tpu.vector_load_idx %arg7[%add3A_189, %and3A_565] : memref<512x128xf32, #tpu.memory_space<vmem>>[vector<16xi32>, vector<16xi32>], vector<16xf32>,
      %mul3A_592 = arith.mulf %gather3A_591, %get3A_566 : vector<16xf32>
      %add3A_593 = arith.addf %scan3A_554, %mul3A_592 : vector<16xf32>
      %mul3A_594 = arith.mulf %gather3A_591, %get3A_570 : vector<16xf32>
      %add3A_595 = arith.addf %scan3A_555, %mul3A_594 : vector<16xf32>
      %gather3A_596 = tpu.vector_load_idx %arg7[%add3A_192, %and3A_565] : memref<512x128xf32, #tpu.memory_space<vmem>>[vector<16xi32>, vector<16xi32>], vector<16xf32>,
      %mul3A_597 = arith.mulf %gather3A_596, %get3A_566 : vector<16xf32>
      %add3A_598 = arith.addf %scan3A_556, %mul3A_597 : vector<16xf32>
      %mul3A_599 = arith.mulf %gather3A_596, %get3A_570 : vector<16xf32>
      %add3A_600 = arith.addf %scan3A_557, %mul3A_599 : vector<16xf32>
      %gather3A_601 = tpu.vector_load_idx %arg7[%add3A_195, %and3A_565] : memref<512x128xf32, #tpu.memory_space<vmem>>[vector<16xi32>, vector<16xi32>], vector<16xf32>,
      %mul3A_602 = arith.mulf %gather3A_601, %get3A_566 : vector<16xf32>
      %add3A_603 = arith.addf %scan3A_558, %mul3A_602 : vector<16xf32>
      %mul3A_604 = arith.mulf %gather3A_601, %get3A_570 : vector<16xf32>
      %add3A_605 = arith.addf %scan3A_559, %mul3A_604 : vector<16xf32>
      %gather3A_606 = tpu.vector_load_idx %arg7[%add3A_198, %and3A_565] : memref<512x128xf32, #tpu.memory_space<vmem>>[vector<16xi32>, vector<16xi32>], vector<16xf32>,
      %mul3A_607 = arith.mulf %gather3A_606, %get3A_566 : vector<16xf32>
      %add3A_608 = arith.addf %scan3A_560, %mul3A_607 : vector<16xf32>
      %mul3A_609 = arith.mulf %gather3A_606, %get3A_570 : vector<16xf32>
      %add3A_610 = arith.addf %scan3A_561, %mul3A_609 : vector<16xf32>
      %scan3A_611 = arith.constant 1 : i32
      %scan3A_612 = arith.addi %scan3A_545, %scan3A_611 : i32
      %add3A_613 = vector.broadcast %scan3A_612 : i32 to vector<16xi32>
      %add3A_614 = arith.addi %iota3A, %add3A_613 : vector<16xi32>
      %and3A_615 = arith.constant 127 : i32
      %and3A_616 = vector.broadcast %and3A_615 : i32 to vector<16xi32>
      %and3A_617 = arith.andi %add3A_614, %and3A_616 : vector<16xi32>
      %get3A_618 = arith.index_cast %scan3A_612 : i32 to index
      %get3A_619 = tpu.vector_load %arg8[%get3A_618] {strides = array<i32>} : memref<528xf32, #tpu.memory_space<vmem>>, vector<16xf32>,
      %add3A_620 = arith.constant 256 : i32
      %add3A_621 = arith.addi %scan3A_612, %add3A_620 : i32
      %get3A_622 = arith.index_cast %add3A_621 : i32 to index
      %get3A_623 = tpu.vector_load %arg8[%get3A_622] {strides = array<i32>} : memref<528xf32, #tpu.memory_space<vmem>>, vector<16xf32>,
      %gather3A_624 = tpu.vector_load_idx %arg7[%add3A_177, %and3A_617] : memref<512x128xf32, #tpu.memory_space<vmem>>[vector<16xi32>, vector<16xi32>], vector<16xf32>,
      %mul3A_625 = arith.mulf %gather3A_624, %get3A_619 : vector<16xf32>
      %add3A_626 = arith.addf %add3A_573, %mul3A_625 : vector<16xf32>
      %mul3A_627 = arith.mulf %gather3A_624, %get3A_623 : vector<16xf32>
      %add3A_628 = arith.addf %add3A_575, %mul3A_627 : vector<16xf32>
      %gather3A_629 = tpu.vector_load_idx %arg7[%add3A_180, %and3A_617] : memref<512x128xf32, #tpu.memory_space<vmem>>[vector<16xi32>, vector<16xi32>], vector<16xf32>,
      %mul3A_630 = arith.mulf %gather3A_629, %get3A_619 : vector<16xf32>
      %add3A_631 = arith.addf %add3A_578, %mul3A_630 : vector<16xf32>
      %mul3A_632 = arith.mulf %gather3A_629, %get3A_623 : vector<16xf32>
      %add3A_633 = arith.addf %add3A_580, %mul3A_632 : vector<16xf32>
      %gather3A_634 = tpu.vector_load_idx %arg7[%add3A_183, %and3A_617] : memref<512x128xf32, #tpu.memory_space<vmem>>[vector<16xi32>, vector<16xi32>], vector<16xf32>,
      %mul3A_635 = arith.mulf %gather3A_634, %get3A_619 : vector<16xf32>
      %add3A_636 = arith.addf %add3A_583, %mul3A_635 : vector<16xf32>
      %mul3A_637 = arith.mulf %gather3A_634, %get3A_623 : vector<16xf32>
      %add3A_638 = arith.addf %add3A_585, %mul3A_637 : vector<16xf32>
      %gather3A_639 = tpu.vector_load_idx %arg7[%add3A_186, %and3A_617] : memref<512x128xf32, #tpu.memory_space<vmem>>[vector<16xi32>, vector<16xi32>], vector<16xf32>,
      %mul3A_640 = arith.mulf %gather3A_639, %get3A_619 : vector<16xf32>
      %add3A_641 = arith.addf %add3A_588, %mul3A_640 : vector<16xf32>
      %mul3A_642 = arith.mulf %gather3A_639, %get3A_623 : vector<16xf32>
      %add3A_643 = arith.addf %add3A_590, %mul3A_642 : vector<16xf32>
      %gather3A_644 = tpu.vector_load_idx %arg7[%add3A_189, %and3A_617] : memref<512x128xf32, #tpu.memory_space<vmem>>[vector<16xi32>, vector<16xi32>], vector<16xf32>,
      %mul3A_645 = arith.mulf %gather3A_644, %get3A_619 : vector<16xf32>
      %add3A_646 = arith.addf %add3A_593, %mul3A_645 : vector<16xf32>
      %mul3A_647 = arith.mulf %gather3A_644, %get3A_623 : vector<16xf32>
      %add3A_648 = arith.addf %add3A_595, %mul3A_647 : vector<16xf32>
      %gather3A_649 = tpu.vector_load_idx %arg7[%add3A_192, %and3A_617] : memref<512x128xf32, #tpu.memory_space<vmem>>[vector<16xi32>, vector<16xi32>], vector<16xf32>,
      %mul3A_650 = arith.mulf %gather3A_649, %get3A_619 : vector<16xf32>
      %add3A_651 = arith.addf %add3A_598, %mul3A_650 : vector<16xf32>
      %mul3A_652 = arith.mulf %gather3A_649, %get3A_623 : vector<16xf32>
      %add3A_653 = arith.addf %add3A_600, %mul3A_652 : vector<16xf32>
      %gather3A_654 = tpu.vector_load_idx %arg7[%add3A_195, %and3A_617] : memref<512x128xf32, #tpu.memory_space<vmem>>[vector<16xi32>, vector<16xi32>], vector<16xf32>,
      %mul3A_655 = arith.mulf %gather3A_654, %get3A_619 : vector<16xf32>
      %add3A_656 = arith.addf %add3A_603, %mul3A_655 : vector<16xf32>
      %mul3A_657 = arith.mulf %gather3A_654, %get3A_623 : vector<16xf32>
      %add3A_658 = arith.addf %add3A_605, %mul3A_657 : vector<16xf32>
      %gather3A_659 = tpu.vector_load_idx %arg7[%add3A_198, %and3A_617] : memref<512x128xf32, #tpu.memory_space<vmem>>[vector<16xi32>, vector<16xi32>], vector<16xf32>,
      %mul3A_660 = arith.mulf %gather3A_659, %get3A_619 : vector<16xf32>
      %add3A_661 = arith.addf %add3A_608, %mul3A_660 : vector<16xf32>
      %mul3A_662 = arith.mulf %gather3A_659, %get3A_623 : vector<16xf32>
      %add3A_663 = arith.addf %add3A_610, %mul3A_662 : vector<16xf32>
      scf.yield %add3A_626, %add3A_628, %add3A_631, %add3A_633, %add3A_636, %add3A_638, %add3A_641, %add3A_643, %add3A_646, %add3A_648, %add3A_651, %add3A_653, %add3A_656, %add3A_658, %add3A_661, %add3A_663 : vector<16xf32>, vector<16xf32>, vector<16xf32>, vector<16xf32>, vector<16xf32>, vector<16xf32>, vector<16xf32>, vector<16xf32>, vector<16xf32>, vector<16xf32>, vector<16xf32>, vector<16xf32>, vector<16xf32>, vector<16xf32>, vector<16xf32>, vector<16xf32>
    }
    %scan3A_236 = arith.constant 128 : i32
    %add3A_237 = arith.addf %scan3A_235#0, %gather3A : vector<16xf32>
    %swap3A_238 = arith.constant 128 : index
    %swap3A_239 = tpu.vector_load %arg9[%swap3A_238] {strides = array<i32>} : memref<512xf32, #tpu.memory_space<vmem>>, vector<16xf32>,
    tpu.vector_store %arg9[%swap3A_238], %add3A_237 {strides = array<i32>} : memref<512xf32, #tpu.memory_space<vmem>>, vector<16xf32>,
    %add3A_240 = arith.addf %scan3A_235#1, %gather3A_27 : vector<16xf32>
    %swap3A_241 = arith.constant 128 : index
    %swap3A_242 = tpu.vector_load %arg10[%swap3A_241] {strides = array<i32>} : memref<512xf32, #tpu.memory_space<vmem>>, vector<16xf32>,
    tpu.vector_store %arg10[%swap3A_241], %add3A_240 {strides = array<i32>} : memref<512xf32, #tpu.memory_space<vmem>>, vector<16xf32>,
    %add3A_243 = arith.addf %scan3A_235#2, %gather3A : vector<16xf32>
    %swap3A_244 = arith.constant 144 : index
    %swap3A_245 = tpu.vector_load %arg9[%swap3A_244] {strides = array<i32>} : memref<512xf32, #tpu.memory_space<vmem>>, vector<16xf32>,
    tpu.vector_store %arg9[%swap3A_244], %add3A_243 {strides = array<i32>} : memref<512xf32, #tpu.memory_space<vmem>>, vector<16xf32>,
    %add3A_246 = arith.addf %scan3A_235#3, %gather3A_27 : vector<16xf32>
    %swap3A_247 = arith.constant 144 : index
    %swap3A_248 = tpu.vector_load %arg10[%swap3A_247] {strides = array<i32>} : memref<512xf32, #tpu.memory_space<vmem>>, vector<16xf32>,
    tpu.vector_store %arg10[%swap3A_247], %add3A_246 {strides = array<i32>} : memref<512xf32, #tpu.memory_space<vmem>>, vector<16xf32>,
    %add3A_249 = arith.addf %scan3A_235#4, %gather3A : vector<16xf32>
    %swap3A_250 = arith.constant 160 : index
    %swap3A_251 = tpu.vector_load %arg9[%swap3A_250] {strides = array<i32>} : memref<512xf32, #tpu.memory_space<vmem>>, vector<16xf32>,
    tpu.vector_store %arg9[%swap3A_250], %add3A_249 {strides = array<i32>} : memref<512xf32, #tpu.memory_space<vmem>>, vector<16xf32>,
    %add3A_252 = arith.addf %scan3A_235#5, %gather3A_27 : vector<16xf32>
    %swap3A_253 = arith.constant 160 : index
    %swap3A_254 = tpu.vector_load %arg10[%swap3A_253] {strides = array<i32>} : memref<512xf32, #tpu.memory_space<vmem>>, vector<16xf32>,
    tpu.vector_store %arg10[%swap3A_253], %add3A_252 {strides = array<i32>} : memref<512xf32, #tpu.memory_space<vmem>>, vector<16xf32>,
    %add3A_255 = arith.addf %scan3A_235#6, %gather3A : vector<16xf32>
    %swap3A_256 = arith.constant 176 : index
    %swap3A_257 = tpu.vector_load %arg9[%swap3A_256] {strides = array<i32>} : memref<512xf32, #tpu.memory_space<vmem>>, vector<16xf32>,
    tpu.vector_store %arg9[%swap3A_256], %add3A_255 {strides = array<i32>} : memref<512xf32, #tpu.memory_space<vmem>>, vector<16xf32>,
    %add3A_258 = arith.addf %scan3A_235#7, %gather3A_27 : vector<16xf32>
    %swap3A_259 = arith.constant 176 : index
    %swap3A_260 = tpu.vector_load %arg10[%swap3A_259] {strides = array<i32>} : memref<512xf32, #tpu.memory_space<vmem>>, vector<16xf32>,
    tpu.vector_store %arg10[%swap3A_259], %add3A_258 {strides = array<i32>} : memref<512xf32, #tpu.memory_space<vmem>>, vector<16xf32>,
    %add3A_261 = arith.addf %scan3A_235#8, %gather3A : vector<16xf32>
    %swap3A_262 = arith.constant 192 : index
    %swap3A_263 = tpu.vector_load %arg9[%swap3A_262] {strides = array<i32>} : memref<512xf32, #tpu.memory_space<vmem>>, vector<16xf32>,
    tpu.vector_store %arg9[%swap3A_262], %add3A_261 {strides = array<i32>} : memref<512xf32, #tpu.memory_space<vmem>>, vector<16xf32>,
    %add3A_264 = arith.addf %scan3A_235#9, %gather3A_27 : vector<16xf32>
    %swap3A_265 = arith.constant 192 : index
    %swap3A_266 = tpu.vector_load %arg10[%swap3A_265] {strides = array<i32>} : memref<512xf32, #tpu.memory_space<vmem>>, vector<16xf32>,
    tpu.vector_store %arg10[%swap3A_265], %add3A_264 {strides = array<i32>} : memref<512xf32, #tpu.memory_space<vmem>>, vector<16xf32>,
    %add3A_267 = arith.addf %scan3A_235#10, %gather3A : vector<16xf32>
    %swap3A_268 = arith.constant 208 : index
    %swap3A_269 = tpu.vector_load %arg9[%swap3A_268] {strides = array<i32>} : memref<512xf32, #tpu.memory_space<vmem>>, vector<16xf32>,
    tpu.vector_store %arg9[%swap3A_268], %add3A_267 {strides = array<i32>} : memref<512xf32, #tpu.memory_space<vmem>>, vector<16xf32>,
    %add3A_270 = arith.addf %scan3A_235#11, %gather3A_27 : vector<16xf32>
    %swap3A_271 = arith.constant 208 : index
    %swap3A_272 = tpu.vector_load %arg10[%swap3A_271] {strides = array<i32>} : memref<512xf32, #tpu.memory_space<vmem>>, vector<16xf32>,
    tpu.vector_store %arg10[%swap3A_271], %add3A_270 {strides = array<i32>} : memref<512xf32, #tpu.memory_space<vmem>>, vector<16xf32>,
    %add3A_273 = arith.addf %scan3A_235#12, %gather3A : vector<16xf32>
    %swap3A_274 = arith.constant 224 : index
    %swap3A_275 = tpu.vector_load %arg9[%swap3A_274] {strides = array<i32>} : memref<512xf32, #tpu.memory_space<vmem>>, vector<16xf32>,
    tpu.vector_store %arg9[%swap3A_274], %add3A_273 {strides = array<i32>} : memref<512xf32, #tpu.memory_space<vmem>>, vector<16xf32>,
    %add3A_276 = arith.addf %scan3A_235#13, %gather3A_27 : vector<16xf32>
    %swap3A_277 = arith.constant 224 : index
    %swap3A_278 = tpu.vector_load %arg10[%swap3A_277] {strides = array<i32>} : memref<512xf32, #tpu.memory_space<vmem>>, vector<16xf32>,
    tpu.vector_store %arg10[%swap3A_277], %add3A_276 {strides = array<i32>} : memref<512xf32, #tpu.memory_space<vmem>>, vector<16xf32>,
    %add3A_279 = arith.addf %scan3A_235#14, %gather3A : vector<16xf32>
    %swap3A_280 = arith.constant 240 : index
    %swap3A_281 = tpu.vector_load %arg9[%swap3A_280] {strides = array<i32>} : memref<512xf32, #tpu.memory_space<vmem>>, vector<16xf32>,
    tpu.vector_store %arg9[%swap3A_280], %add3A_279 {strides = array<i32>} : memref<512xf32, #tpu.memory_space<vmem>>, vector<16xf32>,
    %add3A_282 = arith.addf %scan3A_235#15, %gather3A_27 : vector<16xf32>
    %swap3A_283 = arith.constant 240 : index
    %swap3A_284 = tpu.vector_load %arg10[%swap3A_283] {strides = array<i32>} : memref<512xf32, #tpu.memory_space<vmem>>, vector<16xf32>,
    tpu.vector_store %arg10[%swap3A_283], %add3A_282 {strides = array<i32>} : memref<512xf32, #tpu.memory_space<vmem>>, vector<16xf32>,
    %dma_wait3A_285 = arith.constant 2 : i32
    %dma_wait3A_286 = arith.constant 256 : i32
    %dma_wait3A_287 = arith.constant 0 : i32
    %dma_wait3A_288 = tpu.memref_slice %arg7[%dma_wait3A_286, %dma_wait3A_287] : memref<512x128xf32, #tpu.memory_space<vmem>> -> memref<128x128xf32, #tpu.memory_space<vmem>>
    %dma_wait3A_289 = arith.constant 0 : i32
    %dma_wait3A_290 = tpu.memref_slice %arg6[%dma_wait3A_285, %dma_wait3A_289] : memref<4x128xi32, #tpu.memory_space<vmem>> -> memref<1x128xi32, #tpu.memory_space<vmem>>
    %dma_wait3A_291 = tpu.memref_squeeze %dma_wait3A_290 : memref<1x128xi32, #tpu.memory_space<vmem>> -> memref<128xi32, #tpu.memory_space<vmem>>
    %dma_wait3A_292 = arith.constant 0 : i32
    %dma_wait3A_293 = arith.constant 0 : i32
    %dma_wait3A_294 = tpu.memref_slice %arg3[%dma_wait3A_292, %dma_wait3A_293] : memref<100000x128xf32, #tpu.memory_space<hbm>> -> memref<100000x128xf32, #tpu.memory_space<hbm>>
    tpu.wait_indirect_dma semaphore(%arg11 : memref<!tpu.dma_semaphore, #tpu.memory_space<semaphore_mem>>) src(%dma_wait3A_294 : memref<100000x128xf32, #tpu.memory_space<hbm>>) dst(%dma_wait3A_288 : memref<128x128xf32, #tpu.memory_space<vmem>>)
    %add3A_295 = arith.constant 256 : i32
    %add3A_296 = vector.broadcast %add3A_295 : i32 to vector<16xi32>
    %add3A_297 = arith.addi %add3A_296, %iota3A : vector<16xi32>
    %add3A_298 = arith.constant 272 : i32
    %add3A_299 = vector.broadcast %add3A_298 : i32 to vector<16xi32>
    %add3A_300 = arith.addi %add3A_299, %iota3A : vector<16xi32>
    %add3A_301 = arith.constant 288 : i32
    %add3A_302 = vector.broadcast %add3A_301 : i32 to vector<16xi32>
    %add3A_303 = arith.addi %add3A_302, %iota3A : vector<16xi32>
    %add3A_304 = arith.constant 304 : i32
    %add3A_305 = vector.broadcast %add3A_304 : i32 to vector<16xi32>
    %add3A_306 = arith.addi %add3A_305, %iota3A : vector<16xi32>
    %add3A_307 = arith.constant 320 : i32
    %add3A_308 = vector.broadcast %add3A_307 : i32 to vector<16xi32>
    %add3A_309 = arith.addi %add3A_308, %iota3A : vector<16xi32>
    %add3A_310 = arith.constant 336 : i32
    %add3A_311 = vector.broadcast %add3A_310 : i32 to vector<16xi32>
    %add3A_312 = arith.addi %add3A_311, %iota3A : vector<16xi32>
    %add3A_313 = arith.constant 352 : i32
    %add3A_314 = vector.broadcast %add3A_313 : i32 to vector<16xi32>
    %add3A_315 = arith.addi %add3A_314, %iota3A : vector<16xi32>
    %add3A_316 = arith.constant 368 : i32
    %add3A_317 = vector.broadcast %add3A_316 : i32 to vector<16xi32>
    %add3A_318 = arith.addi %add3A_317, %iota3A : vector<16xi32>
    %broadcast_in_dim3A_319 = arith.constant 0.000000e+00 : f32
    %broadcast_in_dim3A_320 = vector.broadcast %broadcast_in_dim3A_319 : f32 to vector<16xf32>
    %broadcast_in_dim3A_321 = arith.constant 0.000000e+00 : f32
    %broadcast_in_dim3A_322 = vector.broadcast %broadcast_in_dim3A_321 : f32 to vector<16xf32>
    %broadcast_in_dim3A_323 = arith.constant 0.000000e+00 : f32
    %broadcast_in_dim3A_324 = vector.broadcast %broadcast_in_dim3A_323 : f32 to vector<16xf32>
    %broadcast_in_dim3A_325 = arith.constant 0.000000e+00 : f32
    %broadcast_in_dim3A_326 = vector.broadcast %broadcast_in_dim3A_325 : f32 to vector<16xf32>
    %broadcast_in_dim3A_327 = arith.constant 0.000000e+00 : f32
    %broadcast_in_dim3A_328 = vector.broadcast %broadcast_in_dim3A_327 : f32 to vector<16xf32>
    %broadcast_in_dim3A_329 = arith.constant 0.000000e+00 : f32
    %broadcast_in_dim3A_330 = vector.broadcast %broadcast_in_dim3A_329 : f32 to vector<16xf32>
    %broadcast_in_dim3A_331 = arith.constant 0.000000e+00 : f32
    %broadcast_in_dim3A_332 = vector.broadcast %broadcast_in_dim3A_331 : f32 to vector<16xf32>
    %broadcast_in_dim3A_333 = arith.constant 0.000000e+00 : f32
    %broadcast_in_dim3A_334 = vector.broadcast %broadcast_in_dim3A_333 : f32 to vector<16xf32>
    %broadcast_in_dim3A_335 = arith.constant 0.000000e+00 : f32
    %broadcast_in_dim3A_336 = vector.broadcast %broadcast_in_dim3A_335 : f32 to vector<16xf32>
    %broadcast_in_dim3A_337 = arith.constant 0.000000e+00 : f32
    %broadcast_in_dim3A_338 = vector.broadcast %broadcast_in_dim3A_337 : f32 to vector<16xf32>
    %broadcast_in_dim3A_339 = arith.constant 0.000000e+00 : f32
    %broadcast_in_dim3A_340 = vector.broadcast %broadcast_in_dim3A_339 : f32 to vector<16xf32>
    %broadcast_in_dim3A_341 = arith.constant 0.000000e+00 : f32
    %broadcast_in_dim3A_342 = vector.broadcast %broadcast_in_dim3A_341 : f32 to vector<16xf32>
    %broadcast_in_dim3A_343 = arith.constant 0.000000e+00 : f32
    %broadcast_in_dim3A_344 = vector.broadcast %broadcast_in_dim3A_343 : f32 to vector<16xf32>
    %broadcast_in_dim3A_345 = arith.constant 0.000000e+00 : f32
    %broadcast_in_dim3A_346 = vector.broadcast %broadcast_in_dim3A_345 : f32 to vector<16xf32>
    %broadcast_in_dim3A_347 = arith.constant 0.000000e+00 : f32
    %broadcast_in_dim3A_348 = vector.broadcast %broadcast_in_dim3A_347 : f32 to vector<16xf32>
    %broadcast_in_dim3A_349 = arith.constant 0.000000e+00 : f32
    %broadcast_in_dim3A_350 = vector.broadcast %broadcast_in_dim3A_349 : f32 to vector<16xf32>
    %scan3A_351 = arith.constant 0 : i32
    %scan3A_352 = arith.constant 128 : i32
    %scan3A_353 = arith.addi %scan3A_351, %scan3A_352 : i32
    %scan3A_354 = arith.constant 2 : i32
    %scan3A_355:16 = scf.for %scan3A_545 = %scan3A_351 to %scan3A_353 step %scan3A_354 iter_args(%scan3A_546 = %broadcast_in_dim3A_320, %scan3A_547 = %broadcast_in_dim3A_322, %scan3A_548 = %broadcast_in_dim3A_324, %scan3A_549 = %broadcast_in_dim3A_326, %scan3A_550 = %broadcast_in_dim3A_328, %scan3A_551 = %broadcast_in_dim3A_330, %scan3A_552 = %broadcast_in_dim3A_332, %scan3A_553 = %broadcast_in_dim3A_334, %scan3A_554 = %broadcast_in_dim3A_336, %scan3A_555 = %broadcast_in_dim3A_338, %scan3A_556 = %broadcast_in_dim3A_340, %scan3A_557 = %broadcast_in_dim3A_342, %scan3A_558 = %broadcast_in_dim3A_344, %scan3A_559 = %broadcast_in_dim3A_346, %scan3A_560 = %broadcast_in_dim3A_348, %scan3A_561 = %broadcast_in_dim3A_350) -> (vector<16xf32>, vector<16xf32>, vector<16xf32>, vector<16xf32>, vector<16xf32>, vector<16xf32>, vector<16xf32>, vector<16xf32>, vector<16xf32>, vector<16xf32>, vector<16xf32>, vector<16xf32>, vector<16xf32>, vector<16xf32>, vector<16xf32>, vector<16xf32>)  : i32 {
      %add3A_562 = vector.broadcast %scan3A_545 : i32 to vector<16xi32>
      %add3A_563 = arith.addi %iota3A, %add3A_562 : vector<16xi32>
      %and3A = arith.constant 127 : i32
      %and3A_564 = vector.broadcast %and3A : i32 to vector<16xi32>
      %and3A_565 = arith.andi %add3A_563, %and3A_564 : vector<16xi32>
      %get3A = arith.index_cast %scan3A_545 : i32 to index
      %get3A_566 = tpu.vector_load %arg8[%get3A] {strides = array<i32>} : memref<528xf32, #tpu.memory_space<vmem>>, vector<16xf32>,
      %add3A_567 = arith.constant 256 : i32
      %add3A_568 = arith.addi %scan3A_545, %add3A_567 : i32
      %get3A_569 = arith.index_cast %add3A_568 : i32 to index
      %get3A_570 = tpu.vector_load %arg8[%get3A_569] {strides = array<i32>} : memref<528xf32, #tpu.memory_space<vmem>>, vector<16xf32>,
      %gather3A_571 = tpu.vector_load_idx %arg7[%add3A_297, %and3A_565] : memref<512x128xf32, #tpu.memory_space<vmem>>[vector<16xi32>, vector<16xi32>], vector<16xf32>,
      %mul3A_572 = arith.mulf %gather3A_571, %get3A_566 : vector<16xf32>
      %add3A_573 = arith.addf %scan3A_546, %mul3A_572 : vector<16xf32>
      %mul3A_574 = arith.mulf %gather3A_571, %get3A_570 : vector<16xf32>
      %add3A_575 = arith.addf %scan3A_547, %mul3A_574 : vector<16xf32>
      %gather3A_576 = tpu.vector_load_idx %arg7[%add3A_300, %and3A_565] : memref<512x128xf32, #tpu.memory_space<vmem>>[vector<16xi32>, vector<16xi32>], vector<16xf32>,
      %mul3A_577 = arith.mulf %gather3A_576, %get3A_566 : vector<16xf32>
      %add3A_578 = arith.addf %scan3A_548, %mul3A_577 : vector<16xf32>
      %mul3A_579 = arith.mulf %gather3A_576, %get3A_570 : vector<16xf32>
      %add3A_580 = arith.addf %scan3A_549, %mul3A_579 : vector<16xf32>
      %gather3A_581 = tpu.vector_load_idx %arg7[%add3A_303, %and3A_565] : memref<512x128xf32, #tpu.memory_space<vmem>>[vector<16xi32>, vector<16xi32>], vector<16xf32>,
      %mul3A_582 = arith.mulf %gather3A_581, %get3A_566 : vector<16xf32>
      %add3A_583 = arith.addf %scan3A_550, %mul3A_582 : vector<16xf32>
      %mul3A_584 = arith.mulf %gather3A_581, %get3A_570 : vector<16xf32>
      %add3A_585 = arith.addf %scan3A_551, %mul3A_584 : vector<16xf32>
      %gather3A_586 = tpu.vector_load_idx %arg7[%add3A_306, %and3A_565] : memref<512x128xf32, #tpu.memory_space<vmem>>[vector<16xi32>, vector<16xi32>], vector<16xf32>,
      %mul3A_587 = arith.mulf %gather3A_586, %get3A_566 : vector<16xf32>
      %add3A_588 = arith.addf %scan3A_552, %mul3A_587 : vector<16xf32>
      %mul3A_589 = arith.mulf %gather3A_586, %get3A_570 : vector<16xf32>
      %add3A_590 = arith.addf %scan3A_553, %mul3A_589 : vector<16xf32>
      %gather3A_591 = tpu.vector_load_idx %arg7[%add3A_309, %and3A_565] : memref<512x128xf32, #tpu.memory_space<vmem>>[vector<16xi32>, vector<16xi32>], vector<16xf32>,
      %mul3A_592 = arith.mulf %gather3A_591, %get3A_566 : vector<16xf32>
      %add3A_593 = arith.addf %scan3A_554, %mul3A_592 : vector<16xf32>
      %mul3A_594 = arith.mulf %gather3A_591, %get3A_570 : vector<16xf32>
      %add3A_595 = arith.addf %scan3A_555, %mul3A_594 : vector<16xf32>
      %gather3A_596 = tpu.vector_load_idx %arg7[%add3A_312, %and3A_565] : memref<512x128xf32, #tpu.memory_space<vmem>>[vector<16xi32>, vector<16xi32>], vector<16xf32>,
      %mul3A_597 = arith.mulf %gather3A_596, %get3A_566 : vector<16xf32>
      %add3A_598 = arith.addf %scan3A_556, %mul3A_597 : vector<16xf32>
      %mul3A_599 = arith.mulf %gather3A_596, %get3A_570 : vector<16xf32>
      %add3A_600 = arith.addf %scan3A_557, %mul3A_599 : vector<16xf32>
      %gather3A_601 = tpu.vector_load_idx %arg7[%add3A_315, %and3A_565] : memref<512x128xf32, #tpu.memory_space<vmem>>[vector<16xi32>, vector<16xi32>], vector<16xf32>,
      %mul3A_602 = arith.mulf %gather3A_601, %get3A_566 : vector<16xf32>
      %add3A_603 = arith.addf %scan3A_558, %mul3A_602 : vector<16xf32>
      %mul3A_604 = arith.mulf %gather3A_601, %get3A_570 : vector<16xf32>
      %add3A_605 = arith.addf %scan3A_559, %mul3A_604 : vector<16xf32>
      %gather3A_606 = tpu.vector_load_idx %arg7[%add3A_318, %and3A_565] : memref<512x128xf32, #tpu.memory_space<vmem>>[vector<16xi32>, vector<16xi32>], vector<16xf32>,
      %mul3A_607 = arith.mulf %gather3A_606, %get3A_566 : vector<16xf32>
      %add3A_608 = arith.addf %scan3A_560, %mul3A_607 : vector<16xf32>
      %mul3A_609 = arith.mulf %gather3A_606, %get3A_570 : vector<16xf32>
      %add3A_610 = arith.addf %scan3A_561, %mul3A_609 : vector<16xf32>
      %scan3A_611 = arith.constant 1 : i32
      %scan3A_612 = arith.addi %scan3A_545, %scan3A_611 : i32
      %add3A_613 = vector.broadcast %scan3A_612 : i32 to vector<16xi32>
      %add3A_614 = arith.addi %iota3A, %add3A_613 : vector<16xi32>
      %and3A_615 = arith.constant 127 : i32
      %and3A_616 = vector.broadcast %and3A_615 : i32 to vector<16xi32>
      %and3A_617 = arith.andi %add3A_614, %and3A_616 : vector<16xi32>
      %get3A_618 = arith.index_cast %scan3A_612 : i32 to index
      %get3A_619 = tpu.vector_load %arg8[%get3A_618] {strides = array<i32>} : memref<528xf32, #tpu.memory_space<vmem>>, vector<16xf32>,
      %add3A_620 = arith.constant 256 : i32
      %add3A_621 = arith.addi %scan3A_612, %add3A_620 : i32
      %get3A_622 = arith.index_cast %add3A_621 : i32 to index
      %get3A_623 = tpu.vector_load %arg8[%get3A_622] {strides = array<i32>} : memref<528xf32, #tpu.memory_space<vmem>>, vector<16xf32>,
      %gather3A_624 = tpu.vector_load_idx %arg7[%add3A_297, %and3A_617] : memref<512x128xf32, #tpu.memory_space<vmem>>[vector<16xi32>, vector<16xi32>], vector<16xf32>,
      %mul3A_625 = arith.mulf %gather3A_624, %get3A_619 : vector<16xf32>
      %add3A_626 = arith.addf %add3A_573, %mul3A_625 : vector<16xf32>
      %mul3A_627 = arith.mulf %gather3A_624, %get3A_623 : vector<16xf32>
      %add3A_628 = arith.addf %add3A_575, %mul3A_627 : vector<16xf32>
      %gather3A_629 = tpu.vector_load_idx %arg7[%add3A_300, %and3A_617] : memref<512x128xf32, #tpu.memory_space<vmem>>[vector<16xi32>, vector<16xi32>], vector<16xf32>,
      %mul3A_630 = arith.mulf %gather3A_629, %get3A_619 : vector<16xf32>
      %add3A_631 = arith.addf %add3A_578, %mul3A_630 : vector<16xf32>
      %mul3A_632 = arith.mulf %gather3A_629, %get3A_623 : vector<16xf32>
      %add3A_633 = arith.addf %add3A_580, %mul3A_632 : vector<16xf32>
      %gather3A_634 = tpu.vector_load_idx %arg7[%add3A_303, %and3A_617] : memref<512x128xf32, #tpu.memory_space<vmem>>[vector<16xi32>, vector<16xi32>], vector<16xf32>,
      %mul3A_635 = arith.mulf %gather3A_634, %get3A_619 : vector<16xf32>
      %add3A_636 = arith.addf %add3A_583, %mul3A_635 : vector<16xf32>
      %mul3A_637 = arith.mulf %gather3A_634, %get3A_623 : vector<16xf32>
      %add3A_638 = arith.addf %add3A_585, %mul3A_637 : vector<16xf32>
      %gather3A_639 = tpu.vector_load_idx %arg7[%add3A_306, %and3A_617] : memref<512x128xf32, #tpu.memory_space<vmem>>[vector<16xi32>, vector<16xi32>], vector<16xf32>,
      %mul3A_640 = arith.mulf %gather3A_639, %get3A_619 : vector<16xf32>
      %add3A_641 = arith.addf %add3A_588, %mul3A_640 : vector<16xf32>
      %mul3A_642 = arith.mulf %gather3A_639, %get3A_623 : vector<16xf32>
      %add3A_643 = arith.addf %add3A_590, %mul3A_642 : vector<16xf32>
      %gather3A_644 = tpu.vector_load_idx %arg7[%add3A_309, %and3A_617] : memref<512x128xf32, #tpu.memory_space<vmem>>[vector<16xi32>, vector<16xi32>], vector<16xf32>,
      %mul3A_645 = arith.mulf %gather3A_644, %get3A_619 : vector<16xf32>
      %add3A_646 = arith.addf %add3A_593, %mul3A_645 : vector<16xf32>
      %mul3A_647 = arith.mulf %gather3A_644, %get3A_623 : vector<16xf32>
      %add3A_648 = arith.addf %add3A_595, %mul3A_647 : vector<16xf32>
      %gather3A_649 = tpu.vector_load_idx %arg7[%add3A_312, %and3A_617] : memref<512x128xf32, #tpu.memory_space<vmem>>[vector<16xi32>, vector<16xi32>], vector<16xf32>,
      %mul3A_650 = arith.mulf %gather3A_649, %get3A_619 : vector<16xf32>
      %add3A_651 = arith.addf %add3A_598, %mul3A_650 : vector<16xf32>
      %mul3A_652 = arith.mulf %gather3A_649, %get3A_623 : vector<16xf32>
      %add3A_653 = arith.addf %add3A_600, %mul3A_652 : vector<16xf32>
      %gather3A_654 = tpu.vector_load_idx %arg7[%add3A_315, %and3A_617] : memref<512x128xf32, #tpu.memory_space<vmem>>[vector<16xi32>, vector<16xi32>], vector<16xf32>,
      %mul3A_655 = arith.mulf %gather3A_654, %get3A_619 : vector<16xf32>
      %add3A_656 = arith.addf %add3A_603, %mul3A_655 : vector<16xf32>
      %mul3A_657 = arith.mulf %gather3A_654, %get3A_623 : vector<16xf32>
      %add3A_658 = arith.addf %add3A_605, %mul3A_657 : vector<16xf32>
      %gather3A_659 = tpu.vector_load_idx %arg7[%add3A_318, %and3A_617] : memref<512x128xf32, #tpu.memory_space<vmem>>[vector<16xi32>, vector<16xi32>], vector<16xf32>,
      %mul3A_660 = arith.mulf %gather3A_659, %get3A_619 : vector<16xf32>
      %add3A_661 = arith.addf %add3A_608, %mul3A_660 : vector<16xf32>
      %mul3A_662 = arith.mulf %gather3A_659, %get3A_623 : vector<16xf32>
      %add3A_663 = arith.addf %add3A_610, %mul3A_662 : vector<16xf32>
      scf.yield %add3A_626, %add3A_628, %add3A_631, %add3A_633, %add3A_636, %add3A_638, %add3A_641, %add3A_643, %add3A_646, %add3A_648, %add3A_651, %add3A_653, %add3A_656, %add3A_658, %add3A_661, %add3A_663 : vector<16xf32>, vector<16xf32>, vector<16xf32>, vector<16xf32>, vector<16xf32>, vector<16xf32>, vector<16xf32>, vector<16xf32>, vector<16xf32>, vector<16xf32>, vector<16xf32>, vector<16xf32>, vector<16xf32>, vector<16xf32>, vector<16xf32>, vector<16xf32>
    }
    %scan3A_356 = arith.constant 128 : i32
    %add3A_357 = arith.addf %scan3A_355#0, %gather3A : vector<16xf32>
    %swap3A_358 = arith.constant 256 : index
    %swap3A_359 = tpu.vector_load %arg9[%swap3A_358] {strides = array<i32>} : memref<512xf32, #tpu.memory_space<vmem>>, vector<16xf32>,
    tpu.vector_store %arg9[%swap3A_358], %add3A_357 {strides = array<i32>} : memref<512xf32, #tpu.memory_space<vmem>>, vector<16xf32>,
    %add3A_360 = arith.addf %scan3A_355#1, %gather3A_27 : vector<16xf32>
    %swap3A_361 = arith.constant 256 : index
    %swap3A_362 = tpu.vector_load %arg10[%swap3A_361] {strides = array<i32>} : memref<512xf32, #tpu.memory_space<vmem>>, vector<16xf32>,
    tpu.vector_store %arg10[%swap3A_361], %add3A_360 {strides = array<i32>} : memref<512xf32, #tpu.memory_space<vmem>>, vector<16xf32>,
    %add3A_363 = arith.addf %scan3A_355#2, %gather3A : vector<16xf32>
    %swap3A_364 = arith.constant 272 : index
    %swap3A_365 = tpu.vector_load %arg9[%swap3A_364] {strides = array<i32>} : memref<512xf32, #tpu.memory_space<vmem>>, vector<16xf32>,
    tpu.vector_store %arg9[%swap3A_364], %add3A_363 {strides = array<i32>} : memref<512xf32, #tpu.memory_space<vmem>>, vector<16xf32>,
    %add3A_366 = arith.addf %scan3A_355#3, %gather3A_27 : vector<16xf32>
    %swap3A_367 = arith.constant 272 : index
    %swap3A_368 = tpu.vector_load %arg10[%swap3A_367] {strides = array<i32>} : memref<512xf32, #tpu.memory_space<vmem>>, vector<16xf32>,
    tpu.vector_store %arg10[%swap3A_367], %add3A_366 {strides = array<i32>} : memref<512xf32, #tpu.memory_space<vmem>>, vector<16xf32>,
    %add3A_369 = arith.addf %scan3A_355#4, %gather3A : vector<16xf32>
    %swap3A_370 = arith.constant 288 : index
    %swap3A_371 = tpu.vector_load %arg9[%swap3A_370] {strides = array<i32>} : memref<512xf32, #tpu.memory_space<vmem>>, vector<16xf32>,
    tpu.vector_store %arg9[%swap3A_370], %add3A_369 {strides = array<i32>} : memref<512xf32, #tpu.memory_space<vmem>>, vector<16xf32>,
    %add3A_372 = arith.addf %scan3A_355#5, %gather3A_27 : vector<16xf32>
    %swap3A_373 = arith.constant 288 : index
    %swap3A_374 = tpu.vector_load %arg10[%swap3A_373] {strides = array<i32>} : memref<512xf32, #tpu.memory_space<vmem>>, vector<16xf32>,
    tpu.vector_store %arg10[%swap3A_373], %add3A_372 {strides = array<i32>} : memref<512xf32, #tpu.memory_space<vmem>>, vector<16xf32>,
    %add3A_375 = arith.addf %scan3A_355#6, %gather3A : vector<16xf32>
    %swap3A_376 = arith.constant 304 : index
    %swap3A_377 = tpu.vector_load %arg9[%swap3A_376] {strides = array<i32>} : memref<512xf32, #tpu.memory_space<vmem>>, vector<16xf32>,
    tpu.vector_store %arg9[%swap3A_376], %add3A_375 {strides = array<i32>} : memref<512xf32, #tpu.memory_space<vmem>>, vector<16xf32>,
    %add3A_378 = arith.addf %scan3A_355#7, %gather3A_27 : vector<16xf32>
    %swap3A_379 = arith.constant 304 : index
    %swap3A_380 = tpu.vector_load %arg10[%swap3A_379] {strides = array<i32>} : memref<512xf32, #tpu.memory_space<vmem>>, vector<16xf32>,
    tpu.vector_store %arg10[%swap3A_379], %add3A_378 {strides = array<i32>} : memref<512xf32, #tpu.memory_space<vmem>>, vector<16xf32>,
    %add3A_381 = arith.addf %scan3A_355#8, %gather3A : vector<16xf32>
    %swap3A_382 = arith.constant 320 : index
    %swap3A_383 = tpu.vector_load %arg9[%swap3A_382] {strides = array<i32>} : memref<512xf32, #tpu.memory_space<vmem>>, vector<16xf32>,
    tpu.vector_store %arg9[%swap3A_382], %add3A_381 {strides = array<i32>} : memref<512xf32, #tpu.memory_space<vmem>>, vector<16xf32>,
    %add3A_384 = arith.addf %scan3A_355#9, %gather3A_27 : vector<16xf32>
    %swap3A_385 = arith.constant 320 : index
    %swap3A_386 = tpu.vector_load %arg10[%swap3A_385] {strides = array<i32>} : memref<512xf32, #tpu.memory_space<vmem>>, vector<16xf32>,
    tpu.vector_store %arg10[%swap3A_385], %add3A_384 {strides = array<i32>} : memref<512xf32, #tpu.memory_space<vmem>>, vector<16xf32>,
    %add3A_387 = arith.addf %scan3A_355#10, %gather3A : vector<16xf32>
    %swap3A_388 = arith.constant 336 : index
    %swap3A_389 = tpu.vector_load %arg9[%swap3A_388] {strides = array<i32>} : memref<512xf32, #tpu.memory_space<vmem>>, vector<16xf32>,
    tpu.vector_store %arg9[%swap3A_388], %add3A_387 {strides = array<i32>} : memref<512xf32, #tpu.memory_space<vmem>>, vector<16xf32>,
    %add3A_390 = arith.addf %scan3A_355#11, %gather3A_27 : vector<16xf32>
    %swap3A_391 = arith.constant 336 : index
    %swap3A_392 = tpu.vector_load %arg10[%swap3A_391] {strides = array<i32>} : memref<512xf32, #tpu.memory_space<vmem>>, vector<16xf32>,
    tpu.vector_store %arg10[%swap3A_391], %add3A_390 {strides = array<i32>} : memref<512xf32, #tpu.memory_space<vmem>>, vector<16xf32>,
    %add3A_393 = arith.addf %scan3A_355#12, %gather3A : vector<16xf32>
    %swap3A_394 = arith.constant 352 : index
    %swap3A_395 = tpu.vector_load %arg9[%swap3A_394] {strides = array<i32>} : memref<512xf32, #tpu.memory_space<vmem>>, vector<16xf32>,
    tpu.vector_store %arg9[%swap3A_394], %add3A_393 {strides = array<i32>} : memref<512xf32, #tpu.memory_space<vmem>>, vector<16xf32>,
    %add3A_396 = arith.addf %scan3A_355#13, %gather3A_27 : vector<16xf32>
    %swap3A_397 = arith.constant 352 : index
    %swap3A_398 = tpu.vector_load %arg10[%swap3A_397] {strides = array<i32>} : memref<512xf32, #tpu.memory_space<vmem>>, vector<16xf32>,
    tpu.vector_store %arg10[%swap3A_397], %add3A_396 {strides = array<i32>} : memref<512xf32, #tpu.memory_space<vmem>>, vector<16xf32>,
    %add3A_399 = arith.addf %scan3A_355#14, %gather3A : vector<16xf32>
    %swap3A_400 = arith.constant 368 : index
    %swap3A_401 = tpu.vector_load %arg9[%swap3A_400] {strides = array<i32>} : memref<512xf32, #tpu.memory_space<vmem>>, vector<16xf32>,
    tpu.vector_store %arg9[%swap3A_400], %add3A_399 {strides = array<i32>} : memref<512xf32, #tpu.memory_space<vmem>>, vector<16xf32>,
    %add3A_402 = arith.addf %scan3A_355#15, %gather3A_27 : vector<16xf32>
    %swap3A_403 = arith.constant 368 : index
    %swap3A_404 = tpu.vector_load %arg10[%swap3A_403] {strides = array<i32>} : memref<512xf32, #tpu.memory_space<vmem>>, vector<16xf32>,
    tpu.vector_store %arg10[%swap3A_403], %add3A_402 {strides = array<i32>} : memref<512xf32, #tpu.memory_space<vmem>>, vector<16xf32>,
    %dma_wait3A_405 = arith.constant 3 : i32
    %dma_wait3A_406 = arith.constant 384 : i32
    %dma_wait3A_407 = arith.constant 0 : i32
    %dma_wait3A_408 = tpu.memref_slice %arg7[%dma_wait3A_406, %dma_wait3A_407] : memref<512x128xf32, #tpu.memory_space<vmem>> -> memref<128x128xf32, #tpu.memory_space<vmem>>
    %dma_wait3A_409 = arith.constant 0 : i32
    %dma_wait3A_410 = tpu.memref_slice %arg6[%dma_wait3A_405, %dma_wait3A_409] : memref<4x128xi32, #tpu.memory_space<vmem>> -> memref<1x128xi32, #tpu.memory_space<vmem>>
    %dma_wait3A_411 = tpu.memref_squeeze %dma_wait3A_410 : memref<1x128xi32, #tpu.memory_space<vmem>> -> memref<128xi32, #tpu.memory_space<vmem>>
    %dma_wait3A_412 = arith.constant 0 : i32
    %dma_wait3A_413 = arith.constant 0 : i32
    %dma_wait3A_414 = tpu.memref_slice %arg3[%dma_wait3A_412, %dma_wait3A_413] : memref<100000x128xf32, #tpu.memory_space<hbm>> -> memref<100000x128xf32, #tpu.memory_space<hbm>>
    tpu.wait_indirect_dma semaphore(%arg12 : memref<!tpu.dma_semaphore, #tpu.memory_space<semaphore_mem>>) src(%dma_wait3A_414 : memref<100000x128xf32, #tpu.memory_space<hbm>>) dst(%dma_wait3A_408 : memref<128x128xf32, #tpu.memory_space<vmem>>)
    %add3A_415 = arith.constant 384 : i32
    %add3A_416 = vector.broadcast %add3A_415 : i32 to vector<16xi32>
    %add3A_417 = arith.addi %add3A_416, %iota3A : vector<16xi32>
    %add3A_418 = arith.constant 400 : i32
    %add3A_419 = vector.broadcast %add3A_418 : i32 to vector<16xi32>
    %add3A_420 = arith.addi %add3A_419, %iota3A : vector<16xi32>
    %add3A_421 = arith.constant 416 : i32
    %add3A_422 = vector.broadcast %add3A_421 : i32 to vector<16xi32>
    %add3A_423 = arith.addi %add3A_422, %iota3A : vector<16xi32>
    %add3A_424 = arith.constant 432 : i32
    %add3A_425 = vector.broadcast %add3A_424 : i32 to vector<16xi32>
    %add3A_426 = arith.addi %add3A_425, %iota3A : vector<16xi32>
    %add3A_427 = arith.constant 448 : i32
    %add3A_428 = vector.broadcast %add3A_427 : i32 to vector<16xi32>
    %add3A_429 = arith.addi %add3A_428, %iota3A : vector<16xi32>
    %add3A_430 = arith.constant 464 : i32
    %add3A_431 = vector.broadcast %add3A_430 : i32 to vector<16xi32>
    %add3A_432 = arith.addi %add3A_431, %iota3A : vector<16xi32>
    %add3A_433 = arith.constant 480 : i32
    %add3A_434 = vector.broadcast %add3A_433 : i32 to vector<16xi32>
    %add3A_435 = arith.addi %add3A_434, %iota3A : vector<16xi32>
    %add3A_436 = arith.constant 496 : i32
    %add3A_437 = vector.broadcast %add3A_436 : i32 to vector<16xi32>
    %add3A_438 = arith.addi %add3A_437, %iota3A : vector<16xi32>
    %broadcast_in_dim3A_439 = arith.constant 0.000000e+00 : f32
    %broadcast_in_dim3A_440 = vector.broadcast %broadcast_in_dim3A_439 : f32 to vector<16xf32>
    %broadcast_in_dim3A_441 = arith.constant 0.000000e+00 : f32
    %broadcast_in_dim3A_442 = vector.broadcast %broadcast_in_dim3A_441 : f32 to vector<16xf32>
    %broadcast_in_dim3A_443 = arith.constant 0.000000e+00 : f32
    %broadcast_in_dim3A_444 = vector.broadcast %broadcast_in_dim3A_443 : f32 to vector<16xf32>
    %broadcast_in_dim3A_445 = arith.constant 0.000000e+00 : f32
    %broadcast_in_dim3A_446 = vector.broadcast %broadcast_in_dim3A_445 : f32 to vector<16xf32>
    %broadcast_in_dim3A_447 = arith.constant 0.000000e+00 : f32
    %broadcast_in_dim3A_448 = vector.broadcast %broadcast_in_dim3A_447 : f32 to vector<16xf32>
    %broadcast_in_dim3A_449 = arith.constant 0.000000e+00 : f32
    %broadcast_in_dim3A_450 = vector.broadcast %broadcast_in_dim3A_449 : f32 to vector<16xf32>
    %broadcast_in_dim3A_451 = arith.constant 0.000000e+00 : f32
    %broadcast_in_dim3A_452 = vector.broadcast %broadcast_in_dim3A_451 : f32 to vector<16xf32>
    %broadcast_in_dim3A_453 = arith.constant 0.000000e+00 : f32
    %broadcast_in_dim3A_454 = vector.broadcast %broadcast_in_dim3A_453 : f32 to vector<16xf32>
    %broadcast_in_dim3A_455 = arith.constant 0.000000e+00 : f32
    %broadcast_in_dim3A_456 = vector.broadcast %broadcast_in_dim3A_455 : f32 to vector<16xf32>
    %broadcast_in_dim3A_457 = arith.constant 0.000000e+00 : f32
    %broadcast_in_dim3A_458 = vector.broadcast %broadcast_in_dim3A_457 : f32 to vector<16xf32>
    %broadcast_in_dim3A_459 = arith.constant 0.000000e+00 : f32
    %broadcast_in_dim3A_460 = vector.broadcast %broadcast_in_dim3A_459 : f32 to vector<16xf32>
    %broadcast_in_dim3A_461 = arith.constant 0.000000e+00 : f32
    %broadcast_in_dim3A_462 = vector.broadcast %broadcast_in_dim3A_461 : f32 to vector<16xf32>
    %broadcast_in_dim3A_463 = arith.constant 0.000000e+00 : f32
    %broadcast_in_dim3A_464 = vector.broadcast %broadcast_in_dim3A_463 : f32 to vector<16xf32>
    %broadcast_in_dim3A_465 = arith.constant 0.000000e+00 : f32
    %broadcast_in_dim3A_466 = vector.broadcast %broadcast_in_dim3A_465 : f32 to vector<16xf32>
    %broadcast_in_dim3A_467 = arith.constant 0.000000e+00 : f32
    %broadcast_in_dim3A_468 = vector.broadcast %broadcast_in_dim3A_467 : f32 to vector<16xf32>
    %broadcast_in_dim3A_469 = arith.constant 0.000000e+00 : f32
    %broadcast_in_dim3A_470 = vector.broadcast %broadcast_in_dim3A_469 : f32 to vector<16xf32>
    %scan3A_471 = arith.constant 0 : i32
    %scan3A_472 = arith.constant 128 : i32
    %scan3A_473 = arith.addi %scan3A_471, %scan3A_472 : i32
    %scan3A_474 = arith.constant 2 : i32
    %scan3A_475:16 = scf.for %scan3A_545 = %scan3A_471 to %scan3A_473 step %scan3A_474 iter_args(%scan3A_546 = %broadcast_in_dim3A_440, %scan3A_547 = %broadcast_in_dim3A_442, %scan3A_548 = %broadcast_in_dim3A_444, %scan3A_549 = %broadcast_in_dim3A_446, %scan3A_550 = %broadcast_in_dim3A_448, %scan3A_551 = %broadcast_in_dim3A_450, %scan3A_552 = %broadcast_in_dim3A_452, %scan3A_553 = %broadcast_in_dim3A_454, %scan3A_554 = %broadcast_in_dim3A_456, %scan3A_555 = %broadcast_in_dim3A_458, %scan3A_556 = %broadcast_in_dim3A_460, %scan3A_557 = %broadcast_in_dim3A_462, %scan3A_558 = %broadcast_in_dim3A_464, %scan3A_559 = %broadcast_in_dim3A_466, %scan3A_560 = %broadcast_in_dim3A_468, %scan3A_561 = %broadcast_in_dim3A_470) -> (vector<16xf32>, vector<16xf32>, vector<16xf32>, vector<16xf32>, vector<16xf32>, vector<16xf32>, vector<16xf32>, vector<16xf32>, vector<16xf32>, vector<16xf32>, vector<16xf32>, vector<16xf32>, vector<16xf32>, vector<16xf32>, vector<16xf32>, vector<16xf32>)  : i32 {
      %add3A_562 = vector.broadcast %scan3A_545 : i32 to vector<16xi32>
      %add3A_563 = arith.addi %iota3A, %add3A_562 : vector<16xi32>
      %and3A = arith.constant 127 : i32
      %and3A_564 = vector.broadcast %and3A : i32 to vector<16xi32>
      %and3A_565 = arith.andi %add3A_563, %and3A_564 : vector<16xi32>
      %get3A = arith.index_cast %scan3A_545 : i32 to index
      %get3A_566 = tpu.vector_load %arg8[%get3A] {strides = array<i32>} : memref<528xf32, #tpu.memory_space<vmem>>, vector<16xf32>,
      %add3A_567 = arith.constant 256 : i32
      %add3A_568 = arith.addi %scan3A_545, %add3A_567 : i32
      %get3A_569 = arith.index_cast %add3A_568 : i32 to index
      %get3A_570 = tpu.vector_load %arg8[%get3A_569] {strides = array<i32>} : memref<528xf32, #tpu.memory_space<vmem>>, vector<16xf32>,
      %gather3A_571 = tpu.vector_load_idx %arg7[%add3A_417, %and3A_565] : memref<512x128xf32, #tpu.memory_space<vmem>>[vector<16xi32>, vector<16xi32>], vector<16xf32>,
      %mul3A_572 = arith.mulf %gather3A_571, %get3A_566 : vector<16xf32>
      %add3A_573 = arith.addf %scan3A_546, %mul3A_572 : vector<16xf32>
      %mul3A_574 = arith.mulf %gather3A_571, %get3A_570 : vector<16xf32>
      %add3A_575 = arith.addf %scan3A_547, %mul3A_574 : vector<16xf32>
      %gather3A_576 = tpu.vector_load_idx %arg7[%add3A_420, %and3A_565] : memref<512x128xf32, #tpu.memory_space<vmem>>[vector<16xi32>, vector<16xi32>], vector<16xf32>,
      %mul3A_577 = arith.mulf %gather3A_576, %get3A_566 : vector<16xf32>
      %add3A_578 = arith.addf %scan3A_548, %mul3A_577 : vector<16xf32>
      %mul3A_579 = arith.mulf %gather3A_576, %get3A_570 : vector<16xf32>
      %add3A_580 = arith.addf %scan3A_549, %mul3A_579 : vector<16xf32>
      %gather3A_581 = tpu.vector_load_idx %arg7[%add3A_423, %and3A_565] : memref<512x128xf32, #tpu.memory_space<vmem>>[vector<16xi32>, vector<16xi32>], vector<16xf32>,
      %mul3A_582 = arith.mulf %gather3A_581, %get3A_566 : vector<16xf32>
      %add3A_583 = arith.addf %scan3A_550, %mul3A_582 : vector<16xf32>
      %mul3A_584 = arith.mulf %gather3A_581, %get3A_570 : vector<16xf32>
      %add3A_585 = arith.addf %scan3A_551, %mul3A_584 : vector<16xf32>
      %gather3A_586 = tpu.vector_load_idx %arg7[%add3A_426, %and3A_565] : memref<512x128xf32, #tpu.memory_space<vmem>>[vector<16xi32>, vector<16xi32>], vector<16xf32>,
      %mul3A_587 = arith.mulf %gather3A_586, %get3A_566 : vector<16xf32>
      %add3A_588 = arith.addf %scan3A_552, %mul3A_587 : vector<16xf32>
      %mul3A_589 = arith.mulf %gather3A_586, %get3A_570 : vector<16xf32>
      %add3A_590 = arith.addf %scan3A_553, %mul3A_589 : vector<16xf32>
      %gather3A_591 = tpu.vector_load_idx %arg7[%add3A_429, %and3A_565] : memref<512x128xf32, #tpu.memory_space<vmem>>[vector<16xi32>, vector<16xi32>], vector<16xf32>,
      %mul3A_592 = arith.mulf %gather3A_591, %get3A_566 : vector<16xf32>
      %add3A_593 = arith.addf %scan3A_554, %mul3A_592 : vector<16xf32>
      %mul3A_594 = arith.mulf %gather3A_591, %get3A_570 : vector<16xf32>
      %add3A_595 = arith.addf %scan3A_555, %mul3A_594 : vector<16xf32>
      %gather3A_596 = tpu.vector_load_idx %arg7[%add3A_432, %and3A_565] : memref<512x128xf32, #tpu.memory_space<vmem>>[vector<16xi32>, vector<16xi32>], vector<16xf32>,
      %mul3A_597 = arith.mulf %gather3A_596, %get3A_566 : vector<16xf32>
      %add3A_598 = arith.addf %scan3A_556, %mul3A_597 : vector<16xf32>
      %mul3A_599 = arith.mulf %gather3A_596, %get3A_570 : vector<16xf32>
      %add3A_600 = arith.addf %scan3A_557, %mul3A_599 : vector<16xf32>
      %gather3A_601 = tpu.vector_load_idx %arg7[%add3A_435, %and3A_565] : memref<512x128xf32, #tpu.memory_space<vmem>>[vector<16xi32>, vector<16xi32>], vector<16xf32>,
      %mul3A_602 = arith.mulf %gather3A_601, %get3A_566 : vector<16xf32>
      %add3A_603 = arith.addf %scan3A_558, %mul3A_602 : vector<16xf32>
      %mul3A_604 = arith.mulf %gather3A_601, %get3A_570 : vector<16xf32>
      %add3A_605 = arith.addf %scan3A_559, %mul3A_604 : vector<16xf32>
      %gather3A_606 = tpu.vector_load_idx %arg7[%add3A_438, %and3A_565] : memref<512x128xf32, #tpu.memory_space<vmem>>[vector<16xi32>, vector<16xi32>], vector<16xf32>,
      %mul3A_607 = arith.mulf %gather3A_606, %get3A_566 : vector<16xf32>
      %add3A_608 = arith.addf %scan3A_560, %mul3A_607 : vector<16xf32>
      %mul3A_609 = arith.mulf %gather3A_606, %get3A_570 : vector<16xf32>
      %add3A_610 = arith.addf %scan3A_561, %mul3A_609 : vector<16xf32>
      %scan3A_611 = arith.constant 1 : i32
      %scan3A_612 = arith.addi %scan3A_545, %scan3A_611 : i32
      %add3A_613 = vector.broadcast %scan3A_612 : i32 to vector<16xi32>
      %add3A_614 = arith.addi %iota3A, %add3A_613 : vector<16xi32>
      %and3A_615 = arith.constant 127 : i32
      %and3A_616 = vector.broadcast %and3A_615 : i32 to vector<16xi32>
      %and3A_617 = arith.andi %add3A_614, %and3A_616 : vector<16xi32>
      %get3A_618 = arith.index_cast %scan3A_612 : i32 to index
      %get3A_619 = tpu.vector_load %arg8[%get3A_618] {strides = array<i32>} : memref<528xf32, #tpu.memory_space<vmem>>, vector<16xf32>,
      %add3A_620 = arith.constant 256 : i32
      %add3A_621 = arith.addi %scan3A_612, %add3A_620 : i32
      %get3A_622 = arith.index_cast %add3A_621 : i32 to index
      %get3A_623 = tpu.vector_load %arg8[%get3A_622] {strides = array<i32>} : memref<528xf32, #tpu.memory_space<vmem>>, vector<16xf32>,
      %gather3A_624 = tpu.vector_load_idx %arg7[%add3A_417, %and3A_617] : memref<512x128xf32, #tpu.memory_space<vmem>>[vector<16xi32>, vector<16xi32>], vector<16xf32>,
      %mul3A_625 = arith.mulf %gather3A_624, %get3A_619 : vector<16xf32>
      %add3A_626 = arith.addf %add3A_573, %mul3A_625 : vector<16xf32>
      %mul3A_627 = arith.mulf %gather3A_624, %get3A_623 : vector<16xf32>
      %add3A_628 = arith.addf %add3A_575, %mul3A_627 : vector<16xf32>
      %gather3A_629 = tpu.vector_load_idx %arg7[%add3A_420, %and3A_617] : memref<512x128xf32, #tpu.memory_space<vmem>>[vector<16xi32>, vector<16xi32>], vector<16xf32>,
      %mul3A_630 = arith.mulf %gather3A_629, %get3A_619 : vector<16xf32>
      %add3A_631 = arith.addf %add3A_578, %mul3A_630 : vector<16xf32>
      %mul3A_632 = arith.mulf %gather3A_629, %get3A_623 : vector<16xf32>
      %add3A_633 = arith.addf %add3A_580, %mul3A_632 : vector<16xf32>
      %gather3A_634 = tpu.vector_load_idx %arg7[%add3A_423, %and3A_617] : memref<512x128xf32, #tpu.memory_space<vmem>>[vector<16xi32>, vector<16xi32>], vector<16xf32>,
      %mul3A_635 = arith.mulf %gather3A_634, %get3A_619 : vector<16xf32>
      %add3A_636 = arith.addf %add3A_583, %mul3A_635 : vector<16xf32>
      %mul3A_637 = arith.mulf %gather3A_634, %get3A_623 : vector<16xf32>
      %add3A_638 = arith.addf %add3A_585, %mul3A_637 : vector<16xf32>
      %gather3A_639 = tpu.vector_load_idx %arg7[%add3A_426, %and3A_617] : memref<512x128xf32, #tpu.memory_space<vmem>>[vector<16xi32>, vector<16xi32>], vector<16xf32>,
      %mul3A_640 = arith.mulf %gather3A_639, %get3A_619 : vector<16xf32>
      %add3A_641 = arith.addf %add3A_588, %mul3A_640 : vector<16xf32>
      %mul3A_642 = arith.mulf %gather3A_639, %get3A_623 : vector<16xf32>
      %add3A_643 = arith.addf %add3A_590, %mul3A_642 : vector<16xf32>
      %gather3A_644 = tpu.vector_load_idx %arg7[%add3A_429, %and3A_617] : memref<512x128xf32, #tpu.memory_space<vmem>>[vector<16xi32>, vector<16xi32>], vector<16xf32>,
      %mul3A_645 = arith.mulf %gather3A_644, %get3A_619 : vector<16xf32>
      %add3A_646 = arith.addf %add3A_593, %mul3A_645 : vector<16xf32>
      %mul3A_647 = arith.mulf %gather3A_644, %get3A_623 : vector<16xf32>
      %add3A_648 = arith.addf %add3A_595, %mul3A_647 : vector<16xf32>
      %gather3A_649 = tpu.vector_load_idx %arg7[%add3A_432, %and3A_617] : memref<512x128xf32, #tpu.memory_space<vmem>>[vector<16xi32>, vector<16xi32>], vector<16xf32>,
      %mul3A_650 = arith.mulf %gather3A_649, %get3A_619 : vector<16xf32>
      %add3A_651 = arith.addf %add3A_598, %mul3A_650 : vector<16xf32>
      %mul3A_652 = arith.mulf %gather3A_649, %get3A_623 : vector<16xf32>
      %add3A_653 = arith.addf %add3A_600, %mul3A_652 : vector<16xf32>
      %gather3A_654 = tpu.vector_load_idx %arg7[%add3A_435, %and3A_617] : memref<512x128xf32, #tpu.memory_space<vmem>>[vector<16xi32>, vector<16xi32>], vector<16xf32>,
      %mul3A_655 = arith.mulf %gather3A_654, %get3A_619 : vector<16xf32>
      %add3A_656 = arith.addf %add3A_603, %mul3A_655 : vector<16xf32>
      %mul3A_657 = arith.mulf %gather3A_654, %get3A_623 : vector<16xf32>
      %add3A_658 = arith.addf %add3A_605, %mul3A_657 : vector<16xf32>
      %gather3A_659 = tpu.vector_load_idx %arg7[%add3A_438, %and3A_617] : memref<512x128xf32, #tpu.memory_space<vmem>>[vector<16xi32>, vector<16xi32>], vector<16xf32>,
      %mul3A_660 = arith.mulf %gather3A_659, %get3A_619 : vector<16xf32>
      %add3A_661 = arith.addf %add3A_608, %mul3A_660 : vector<16xf32>
      %mul3A_662 = arith.mulf %gather3A_659, %get3A_623 : vector<16xf32>
      %add3A_663 = arith.addf %add3A_610, %mul3A_662 : vector<16xf32>
      scf.yield %add3A_626, %add3A_628, %add3A_631, %add3A_633, %add3A_636, %add3A_638, %add3A_641, %add3A_643, %add3A_646, %add3A_648, %add3A_651, %add3A_653, %add3A_656, %add3A_658, %add3A_661, %add3A_663 : vector<16xf32>, vector<16xf32>, vector<16xf32>, vector<16xf32>, vector<16xf32>, vector<16xf32>, vector<16xf32>, vector<16xf32>, vector<16xf32>, vector<16xf32>, vector<16xf32>, vector<16xf32>, vector<16xf32>, vector<16xf32>, vector<16xf32>, vector<16xf32>
    }
    %scan3A_476 = arith.constant 128 : i32
    %add3A_477 = arith.addf %scan3A_475#0, %gather3A : vector<16xf32>
    %swap3A_478 = arith.constant 384 : index
    %swap3A_479 = tpu.vector_load %arg9[%swap3A_478] {strides = array<i32>} : memref<512xf32, #tpu.memory_space<vmem>>, vector<16xf32>,
    tpu.vector_store %arg9[%swap3A_478], %add3A_477 {strides = array<i32>} : memref<512xf32, #tpu.memory_space<vmem>>, vector<16xf32>,
    %add3A_480 = arith.addf %scan3A_475#1, %gather3A_27 : vector<16xf32>
    %swap3A_481 = arith.constant 384 : index
    %swap3A_482 = tpu.vector_load %arg10[%swap3A_481] {strides = array<i32>} : memref<512xf32, #tpu.memory_space<vmem>>, vector<16xf32>,
    tpu.vector_store %arg10[%swap3A_481], %add3A_480 {strides = array<i32>} : memref<512xf32, #tpu.memory_space<vmem>>, vector<16xf32>,
    %add3A_483 = arith.addf %scan3A_475#2, %gather3A : vector<16xf32>
    %swap3A_484 = arith.constant 400 : index
    %swap3A_485 = tpu.vector_load %arg9[%swap3A_484] {strides = array<i32>} : memref<512xf32, #tpu.memory_space<vmem>>, vector<16xf32>,
    tpu.vector_store %arg9[%swap3A_484], %add3A_483 {strides = array<i32>} : memref<512xf32, #tpu.memory_space<vmem>>, vector<16xf32>,
    %add3A_486 = arith.addf %scan3A_475#3, %gather3A_27 : vector<16xf32>
    %swap3A_487 = arith.constant 400 : index
    %swap3A_488 = tpu.vector_load %arg10[%swap3A_487] {strides = array<i32>} : memref<512xf32, #tpu.memory_space<vmem>>, vector<16xf32>,
    tpu.vector_store %arg10[%swap3A_487], %add3A_486 {strides = array<i32>} : memref<512xf32, #tpu.memory_space<vmem>>, vector<16xf32>,
    %add3A_489 = arith.addf %scan3A_475#4, %gather3A : vector<16xf32>
    %swap3A_490 = arith.constant 416 : index
    %swap3A_491 = tpu.vector_load %arg9[%swap3A_490] {strides = array<i32>} : memref<512xf32, #tpu.memory_space<vmem>>, vector<16xf32>,
    tpu.vector_store %arg9[%swap3A_490], %add3A_489 {strides = array<i32>} : memref<512xf32, #tpu.memory_space<vmem>>, vector<16xf32>,
    %add3A_492 = arith.addf %scan3A_475#5, %gather3A_27 : vector<16xf32>
    %swap3A_493 = arith.constant 416 : index
    %swap3A_494 = tpu.vector_load %arg10[%swap3A_493] {strides = array<i32>} : memref<512xf32, #tpu.memory_space<vmem>>, vector<16xf32>,
    tpu.vector_store %arg10[%swap3A_493], %add3A_492 {strides = array<i32>} : memref<512xf32, #tpu.memory_space<vmem>>, vector<16xf32>,
    %add3A_495 = arith.addf %scan3A_475#6, %gather3A : vector<16xf32>
    %swap3A_496 = arith.constant 432 : index
    %swap3A_497 = tpu.vector_load %arg9[%swap3A_496] {strides = array<i32>} : memref<512xf32, #tpu.memory_space<vmem>>, vector<16xf32>,
    tpu.vector_store %arg9[%swap3A_496], %add3A_495 {strides = array<i32>} : memref<512xf32, #tpu.memory_space<vmem>>, vector<16xf32>,
    %add3A_498 = arith.addf %scan3A_475#7, %gather3A_27 : vector<16xf32>
    %swap3A_499 = arith.constant 432 : index
    %swap3A_500 = tpu.vector_load %arg10[%swap3A_499] {strides = array<i32>} : memref<512xf32, #tpu.memory_space<vmem>>, vector<16xf32>,
    tpu.vector_store %arg10[%swap3A_499], %add3A_498 {strides = array<i32>} : memref<512xf32, #tpu.memory_space<vmem>>, vector<16xf32>,
    %add3A_501 = arith.addf %scan3A_475#8, %gather3A : vector<16xf32>
    %swap3A_502 = arith.constant 448 : index
    %swap3A_503 = tpu.vector_load %arg9[%swap3A_502] {strides = array<i32>} : memref<512xf32, #tpu.memory_space<vmem>>, vector<16xf32>,
    tpu.vector_store %arg9[%swap3A_502], %add3A_501 {strides = array<i32>} : memref<512xf32, #tpu.memory_space<vmem>>, vector<16xf32>,
    %add3A_504 = arith.addf %scan3A_475#9, %gather3A_27 : vector<16xf32>
    %swap3A_505 = arith.constant 448 : index
    %swap3A_506 = tpu.vector_load %arg10[%swap3A_505] {strides = array<i32>} : memref<512xf32, #tpu.memory_space<vmem>>, vector<16xf32>,
    tpu.vector_store %arg10[%swap3A_505], %add3A_504 {strides = array<i32>} : memref<512xf32, #tpu.memory_space<vmem>>, vector<16xf32>,
    %add3A_507 = arith.addf %scan3A_475#10, %gather3A : vector<16xf32>
    %swap3A_508 = arith.constant 464 : index
    %swap3A_509 = tpu.vector_load %arg9[%swap3A_508] {strides = array<i32>} : memref<512xf32, #tpu.memory_space<vmem>>, vector<16xf32>,
    tpu.vector_store %arg9[%swap3A_508], %add3A_507 {strides = array<i32>} : memref<512xf32, #tpu.memory_space<vmem>>, vector<16xf32>,
    %add3A_510 = arith.addf %scan3A_475#11, %gather3A_27 : vector<16xf32>
    %swap3A_511 = arith.constant 464 : index
    %swap3A_512 = tpu.vector_load %arg10[%swap3A_511] {strides = array<i32>} : memref<512xf32, #tpu.memory_space<vmem>>, vector<16xf32>,
    tpu.vector_store %arg10[%swap3A_511], %add3A_510 {strides = array<i32>} : memref<512xf32, #tpu.memory_space<vmem>>, vector<16xf32>,
    %add3A_513 = arith.addf %scan3A_475#12, %gather3A : vector<16xf32>
    %swap3A_514 = arith.constant 480 : index
    %swap3A_515 = tpu.vector_load %arg9[%swap3A_514] {strides = array<i32>} : memref<512xf32, #tpu.memory_space<vmem>>, vector<16xf32>,
    tpu.vector_store %arg9[%swap3A_514], %add3A_513 {strides = array<i32>} : memref<512xf32, #tpu.memory_space<vmem>>, vector<16xf32>,
    %add3A_516 = arith.addf %scan3A_475#13, %gather3A_27 : vector<16xf32>
    %swap3A_517 = arith.constant 480 : index
    %swap3A_518 = tpu.vector_load %arg10[%swap3A_517] {strides = array<i32>} : memref<512xf32, #tpu.memory_space<vmem>>, vector<16xf32>,
    tpu.vector_store %arg10[%swap3A_517], %add3A_516 {strides = array<i32>} : memref<512xf32, #tpu.memory_space<vmem>>, vector<16xf32>,
    %add3A_519 = arith.addf %scan3A_475#14, %gather3A : vector<16xf32>
    %swap3A_520 = arith.constant 496 : index
    %swap3A_521 = tpu.vector_load %arg9[%swap3A_520] {strides = array<i32>} : memref<512xf32, #tpu.memory_space<vmem>>, vector<16xf32>,
    tpu.vector_store %arg9[%swap3A_520], %add3A_519 {strides = array<i32>} : memref<512xf32, #tpu.memory_space<vmem>>, vector<16xf32>,
    %add3A_522 = arith.addf %scan3A_475#15, %gather3A_27 : vector<16xf32>
    %swap3A_523 = arith.constant 496 : index
    %swap3A_524 = tpu.vector_load %arg10[%swap3A_523] {strides = array<i32>} : memref<512xf32, #tpu.memory_space<vmem>>, vector<16xf32>,
    tpu.vector_store %arg10[%swap3A_523], %add3A_522 {strides = array<i32>} : memref<512xf32, #tpu.memory_space<vmem>>, vector<16xf32>,
    %dma_start3A_525 = arith.constant 0 : i32
    %dma_start3A_526 = tpu.memref_slice %arg5[%dma_start3A_525, %mul3A_2] : memref<2x16384xf32, #tpu.memory_space<hbm>> -> memref<1x512xf32, #tpu.memory_space<hbm>>
    %dma_start3A_527 = tpu.memref_squeeze %dma_start3A_526 : memref<1x512xf32, #tpu.memory_space<hbm>> -> memref<512xf32, #tpu.memory_space<hbm>>
    %dma_start3A_528 = tpu.memref_slice %arg5[%dma_start3A_525, %mul3A_2] : memref<2x16384xf32, #tpu.memory_space<hbm>> -> memref<1x512xf32, #tpu.memory_space<hbm>>
    %dma_start3A_529 = tpu.memref_squeeze %dma_start3A_528 : memref<1x512xf32, #tpu.memory_space<hbm>> -> memref<512xf32, #tpu.memory_space<hbm>>
    tpu.enqueue_dma source(%arg9 : memref<512xf32, #tpu.memory_space<vmem>>) target(%dma_start3A_529 : memref<512xf32, #tpu.memory_space<hbm>>) target_semaphore(%arg13 : memref<!tpu.dma_semaphore, #tpu.memory_space<semaphore_mem>>)
    %dma_start3A_530 = arith.constant 1 : i32
    %dma_start3A_531 = tpu.memref_slice %arg5[%dma_start3A_530, %mul3A_2] : memref<2x16384xf32, #tpu.memory_space<hbm>> -> memref<1x512xf32, #tpu.memory_space<hbm>>
    %dma_start3A_532 = tpu.memref_squeeze %dma_start3A_531 : memref<1x512xf32, #tpu.memory_space<hbm>> -> memref<512xf32, #tpu.memory_space<hbm>>
    %dma_start3A_533 = tpu.memref_slice %arg5[%dma_start3A_530, %mul3A_2] : memref<2x16384xf32, #tpu.memory_space<hbm>> -> memref<1x512xf32, #tpu.memory_space<hbm>>
    %dma_start3A_534 = tpu.memref_squeeze %dma_start3A_533 : memref<1x512xf32, #tpu.memory_space<hbm>> -> memref<512xf32, #tpu.memory_space<hbm>>
    tpu.enqueue_dma source(%arg10 : memref<512xf32, #tpu.memory_space<vmem>>) target(%dma_start3A_534 : memref<512xf32, #tpu.memory_space<hbm>>) target_semaphore(%arg13 : memref<!tpu.dma_semaphore, #tpu.memory_space<semaphore_mem>>)
    %dma_wait3A_535 = arith.constant 0 : i32
    %dma_wait3A_536 = tpu.memref_slice %arg5[%dma_wait3A_535, %mul3A_2] : memref<2x16384xf32, #tpu.memory_space<hbm>> -> memref<1x512xf32, #tpu.memory_space<hbm>>
    %dma_wait3A_537 = tpu.memref_squeeze %dma_wait3A_536 : memref<1x512xf32, #tpu.memory_space<hbm>> -> memref<512xf32, #tpu.memory_space<hbm>>
    %dma_wait3A_538 = tpu.memref_slice %arg5[%dma_wait3A_535, %mul3A_2] : memref<2x16384xf32, #tpu.memory_space<hbm>> -> memref<1x512xf32, #tpu.memory_space<hbm>>
    %dma_wait3A_539 = tpu.memref_squeeze %dma_wait3A_538 : memref<1x512xf32, #tpu.memory_space<hbm>> -> memref<512xf32, #tpu.memory_space<hbm>>
    tpu.wait_dma2 semaphore(%arg13 : memref<!tpu.dma_semaphore, #tpu.memory_space<semaphore_mem>>) src(%arg9 : memref<512xf32, #tpu.memory_space<vmem>>) dst(%dma_wait3A_539 : memref<512xf32, #tpu.memory_space<hbm>>)
    %dma_wait3A_540 = arith.constant 1 : i32
    %dma_wait3A_541 = tpu.memref_slice %arg5[%dma_wait3A_540, %mul3A_2] : memref<2x16384xf32, #tpu.memory_space<hbm>> -> memref<1x512xf32, #tpu.memory_space<hbm>>
    %dma_wait3A_542 = tpu.memref_squeeze %dma_wait3A_541 : memref<1x512xf32, #tpu.memory_space<hbm>> -> memref<512xf32, #tpu.memory_space<hbm>>
    %dma_wait3A_543 = tpu.memref_slice %arg5[%dma_wait3A_540, %mul3A_2] : memref<2x16384xf32, #tpu.memory_space<hbm>> -> memref<1x512xf32, #tpu.memory_space<hbm>>
    %dma_wait3A_544 = tpu.memref_squeeze %dma_wait3A_543 : memref<1x512xf32, #tpu.memory_space<hbm>> -> memref<512xf32, #tpu.memory_space<hbm>>
    tpu.wait_dma2 semaphore(%arg13 : memref<!tpu.dma_semaphore, #tpu.memory_space<semaphore_mem>>) src(%arg10 : memref<512xf32, #tpu.memory_space<vmem>>) dst(%dma_wait3A_544 : memref<512xf32, #tpu.memory_space<hbm>>)
    return
  }
}

</mosaic_0001>

<sc_bundles>
// kernel: kernel.3.cloned.1.call-start
scs
__scs_entry_jumppad:
0x0: {  	(pc) =	sbr.rel $0x88, $3  }
0x1: {  	(tag) =	ssettag $0x0;
	lr =	simm.s32 $0x1  }
0x2: {  	[smem:$0x3F9D] =	sst lr;
	_ =	strace $0xD0000000  }
0x3: {  	_ = 	snop  }
0x4: {  	_ = 	snop  }
0x5: {  	_ = 	snop  }
0x6: {  	_ = 	snop  }
0x7: {  	_ = 	snop  }
__scs_overlays_trampoline_lowered:
0x8: {  	[smem:$0x3FAC] =	sst s0  }
0x9: {  	[smem:$0x3FAD] =	sst s1  }
0xa: {  	[smem:$0x3FAE] =	sst s2  }
0xb: {  	[smem:$0x3FAF] =	sst s3  }
0xc: {  	[smem:$0x3FB0] =	sst s4  }
0xd: {  	[smem:$0x3FB1] =	sst s5  }
0xe: {  	[smem:$0x3FB2] =	sst s6  }
0xf: {  	[smem:$0x3FB3] =	sst s7  }
0x10: {  	[smem:$0x3FB4] =	sst s8  }
0x11: {  	[smem:$0x3FB5] =	sst s9;
	s0 =	simm.s32 @!p0 $0x0  }
0x12: {  	s1 =	sld [smem:$0x3F9B];
	s0 =	simm.s32 @p0 $0x1  }
0x13: {  	[smem:$0x3FB6] =	sst s0;
	s0 =	simm.s32 @!p1 $0x0  }
0x14: {  	s2 =	sld [smem:$0x3F9A];
	s0 =	simm.s32 @p1 $0x1  }
0x15: {  	[smem:$0x3FB7] =	sst s0;
	s0 =	simm.s32 @!p2 $0x0  }
0x16: {  	s3 =	sld [smem:$0x3FDB];
	s0 =	simm.s32 @p2 $0x1  }
0x17: {  	s4 =	simm.s32 $0x1BF5;
	[smem:$0x3FB9] =	sst s0  }
0x18: {  	s0 =	sld [smem:$0x3F9C];
	_ =	swait.ge [sflag:s4], $0x0  }
0x19: {  	s7 =	sld [smem:$0x3F9D]  }
0x1a: {  	s8 =	sadd.s32 $0xFFFFE003, lr  }
0x1b: {  	s9 =	sadd.s32 $0xFFFFFEF7, lr;
	s5 =	simm.s32 $0xFFFFFFFF;
	p2 =	slt.u32 s8, $0xFFFFF086  }
0x1c: {  	p1 =	slt.u32 s9, $0xF7A;
	s5 =	simm.s32 @!p2 $0x0  }
0x1d: {  	s5 =	simm.s32 @p1 $0x1;
	p0 =	seq.s32 s7, s2  }
0x1e: {  	s7 =	smul.u32 @!p0 $0xF7A, s2;
	p2 =	seq.s32 @!p0 s5, $0x0  }
0x1f: {  	s9 =	smul.u32 $0xF7A, s1;
	s8 =	simm.s32 @!p0 $0x1BF5;
	p2 =	por !p2, p0  }
0x20: {  	[sflag:s8] =	ssyncset.s32 @!p0 $0xFFFFF086;
	s6 =	sadd.s32 @!p0 s3, s7;
	s7 =	simm.s32 @!p0 $0x108  }
0x21: {  	s3 =	sadd.s32 s3, s9;
	s6 =	sadd.s32 @!p0 $0x88, s6;
	s7 =	simm.s32 @p2 $0x1082  }
0x22: {  	[simem:s7], [sflag:s8] =	dma.local @!p0 [hbm:s6], $0xF7A  }
0x23: {  	s9 =	sor.u32 $0xD0000000, s2;
	s6 =	simm.s32 $0x108;
	_ =	swait.ge @!p0 [sflag:s8], $0x0  }
0x24: {  	s3 =	sadd.s32 $0x88, s3;
	s6 =	simm.s32 @!p1 $0x1082;
	[sflag:s4] =	ssyncset.s32 $0xFFFFF086  }
0x25: {  	[simem:s6], [sflag:s4] =	dma.local [hbm:s3], $0xF7A  }
0x26: {  	[smem:$0x3F9D] =	sst s1;
	(tag) =	ssettag s2;
	_ =	strace s9  }
0x27: {  	s1 =	sld [smem:$0x3FAD]  }
0x28: {  	s2 =	sld [smem:$0x3FAE]  }
0x29: {  	s4 =	sld [smem:$0x3FB0]  }
0x2a: {  	p0 =	seq.s32 s5, $0x0;
	s5 =	sld [smem:$0x3FB1]  }
0x2b: {  	s6 =	sld [smem:$0x3FB2]  }
0x2c: {  	s7 =	sld [smem:$0x3FB3]  }
0x2d: {  	s3 =	simm.s32 $0x108;
	s8 =	sld [smem:$0x3FB4]  }
0x2e: {  	s3 =	simm.s32 @!p0 $0x1082;
	s9 =	sld [smem:$0x3FB5]  }
0x2f: {  	lr =	sadd.s32 s0, s3;
	s0 =	sld [smem:$0x3FAC]  }
0x30: {  	s3 =	sld [smem:$0x3FAF]  }
0x31: {  	[smem:$0x3FB8] =	sst s10  }
0x32: {  	s10 =	sld [smem:$0x3FB6];
	_ =	sdelay $0x3  }
0x33: {  	p0 =	seq.s32 s10, $0x1;
	s10 =	sld [smem:$0x3FB8];
	_ =	sdelay $0x3  }
0x34: {  	[smem:$0x3FB8] =	sst s10  }
0x35: {  	s10 =	sld [smem:$0x3FB7];
	_ =	sdelay $0x3  }
0x36: {  	p1 =	seq.s32 s10, $0x1;
	s10 =	sld [smem:$0x3FB8];
	_ =	sdelay $0x3  }
0x37: {  	[smem:$0x3FB8] =	sst s10  }
0x38: {  	s10 =	sld [smem:$0x3FB9]  }
0x39: {  	_ = 	snop;
	(pc) =	sbr.ind lr, $3  }
0x3a: {  	_ = 	snop  }
0x3b: {  	_ = 	snop  }
0x3c: {  	p2 =	seq.s32 s10, $0x1;
	s10 =	sld [smem:$0x3FB8]  }
0x3d: {  	_ =	shalt  }
0x3e: {  	_ =	shalt  }
0x3f: {  	_ =	shalt  }
0x40: {  	_ =	shalt  }
0x41: {  	_ =	shalt  }
0x42: {  	_ =	shalt  }
0x43: {  	_ =	shalt  }
0x44: {  	_ =	shalt  }
0x45: {  	_ =	shalt  }
0x46: {  	_ =	shalt  }
0x47: {  	_ =	shalt  }
0x48: {  	_ =	shalt  }
0x49: {  	_ =	shalt  }
0x4a: {  	_ =	shalt  }
0x4b: {  	_ =	shalt  }
0x4c: {  	_ =	shalt  }
0x4d: {  	_ =	shalt  }
0x4e: {  	_ =	shalt  }
0x4f: {  	_ =	shalt  }
0x50: {  	_ =	shalt  }
0x51: {  	_ =	shalt  }
0x52: {  	_ =	shalt  }
0x53: {  	_ =	shalt  }
0x54: {  	_ =	shalt  }
0x55: {  	_ =	shalt  }
0x56: {  	_ =	shalt  }
0x57: {  	_ =	shalt  }
0x58: {  	_ =	shalt  }
0x59: {  	_ =	shalt  }
0x5a: {  	_ =	shalt  }
0x5b: {  	_ =	shalt  }
0x5c: {  	_ =	shalt  }
0x5d: {  	_ =	shalt  }
0x5e: {  	_ =	shalt  }
0x5f: {  	_ =	shalt  }
0x60: {  	_ =	shalt  }
0x61: {  	_ =	shalt  }
0x62: {  	_ =	shalt  }
0x63: {  	_ =	shalt  }
0x64: {  	_ =	shalt  }
0x65: {  	_ =	shalt  }
0x66: {  	_ =	shalt  }
0x67: {  	_ =	shalt  }
0x68: {  	_ =	shalt  }
0x69: {  	_ =	shalt  }
0x6a: {  	_ =	shalt  }
0x6b: {  	_ =	shalt  }
0x6c: {  	_ =	shalt  }
0x6d: {  	_ =	shalt  }
0x6e: {  	_ =	shalt  }
0x6f: {  	_ =	shalt  }
0x70: {  	_ =	shalt  }
0x71: {  	_ =	shalt  }
0x72: {  	_ =	shalt  }
0x73: {  	_ =	shalt  }
0x74: {  	_ =	shalt  }
0x75: {  	_ =	shalt  }
0x76: {  	_ =	shalt  }
0x77: {  	_ =	shalt  }
0x78: {  	_ =	shalt  }
0x79: {  	_ =	shalt  }
0x7a: {  	_ =	shalt  }
0x7b: {  	_ =	shalt  }
0x7c: {  	_ =	shalt  }
0x7d: {  	_ =	shalt  }
0x7e: {  	_ =	shalt  }
0x7f: {  	_ =	shalt  }
0x80: {  	_ =	shalt  }
0x81: {  	_ =	shalt  }
0x82: {  	_ =	shalt  }
0x83: {  	_ =	shalt  }
0x84: {  	_ =	shalt  }
0x85: {  	_ =	shalt  }
0x86: {  	_ =	shalt  }
0x87: {  	_ =	shalt  }
.Lfunc_end0:
.L_simem_size_0:
called_computation_lowered:
.L_overlay_start_0:
0x88: {  	s2 =	sld [smem:$0x3FD9]  }
0x89: {  	s3 =	sld [smem:$0x3FFE];
	_ =	sdelay $0x1  }
0x8a: {  	s1 =	srdreg.scid  }
0x8b: {  	s0 =	sand.u32 $0x1, s1  }
0x8c: {  	s17 =	sshll.u32 s0, $0xA;
	s2 =	sadd.s32 s3, s2  }
0x8d: {  	s2 =	sadd.s32 s2, s17  }
0x8e: {  	[smem:$0x3FC4] =	sst s2  }
0x8f: {  	_ = 	snop  }
0x90: {  	s2 =	sld [smem:$0x3FC8]  }
0x91: {  	s18 =	sld [smem:$0x3FD0];
	(tm) =	ssettm $0x1  }
0x92: {  	s4 =	sld [smem:$0x3FFB];
	_ =	sdelay $0x3  }
0x93: {  	_ =	strace s4  }
0x94: {  	s4 =	sld [smem:$0x3FFC];
	_ =	sdelay $0x3  }
0x95: {  	_ =	strace s4  }
0x96: {  	s4 =	sld [smem:$0x3FFD];
	_ =	sdelay $0x3  }
0x97: {  	_ =	strace s4  }
0x98: {  	_ =	strace $0x8FFFFFFF  }
0x99: {  	s19 =	sld [smem:$0x3FDB];
	_ =	sdelay $0x1  }
0x9a: {  	s5 =	simm.s32 $_scs_section_size  }
0x9b: {  	s6 =	simm.s32 $_size__tile_overlayer_lowered;
	s7 =	simm.s32 $_tile_overlayer_lowered  }
0x9c: {  	s22 =	simm.s32 $0x1BFF;
	s21 =	sshll.u32 s7, $0x1;
	s4 =	sadd.s32 s5, s19  }
0x9d: {  	s8 =	simm.s32 $0x0;
	s20 =	sshll.u32 s6, $0x1;
	s6 =	sadd.s32 s21, s4  }
0x9e: {  	[timem:s8], [sflag:s22] =	dma.local [hbm:s6], s20  }
0x9f: {  	_ =	swait.ge [sflag:s22], s20  }
0xa0: {  	s5 =	ssub.s32 $0x0, s20;
	[sflag:s22] =	ssyncset.done $0x0  }
0xa1: {  	[sflag:s22] =	ssyncadd.s32 s5;
	_ =	sdelay $0x1  }
0xa2: {  	s23 =	simm.s32 $0x1B8B  }
0xa3: {  	_ =	swait.ge [sflag:s23], $0x1  }
0xa4: {  	[sflag:s23] =	ssyncset.done $0x0  }
0xa5: {  	s25 =	simm.s32 $0x1B8E;
	s24 =	sld [smem:$0x3FFE];
	[sflag:s23] =	ssyncadd.s32 $0xFFFFFFFF  }
0xa6: {  	s26 =	simm.s32 $execute0_lowered;
	[smem:$0x3FD2] =	sst s25  }
0xa7: {  	s6 =	sshll.u32 s26, $0x1;
	_ =	strace $0x80000046;
	[dreg:$0x1] =	wrdreg $0xFFFFFFFF  }
0xa8: {  	s28 =	simm.s32 $_size_execute0_lowered;
	s4 =	sadd.s32 s4, s6;
	[dreg:$0x0] =	wrdreg $0x0  }
0xa9: {  	s6 =	sshll.u32 s28, $0x1;
	[dreg:$0x2] =	wrdreg s4  }
0xaa: {  	[dreg:$0x3] =	wrdreg s6  }
0xab: {  	[dreg:$0x4] =	wrdreg $0xC0  }
0xac: {  	_ =	task [dreg:s8], $0x5FFFF  }
0xad: {  	[dreg:$0x1] =	wrdreg $0xFFFFFFFF  }
0xae: {  	[dreg:$0x0] =	wrdreg $0x60  }
0xaf: {  	[dreg:$0x2] =	wrdreg s24  }
0xb0: {  	[dreg:$0x3] =	wrdreg s2  }
0xb1: {  	[dreg:$0x4] =	wrdreg s18  }
0xb2: {  	[dreg:$0x5] =	wrdreg $0x9  }
0xb3: {  	_ =	task.clear_ibuf [dreg:s8], $0x6FFFF;
	_ =	strace $0x90000046  }
0xb4: {  	s29 =	simm.s32 $0x9;
	_ =	strace $0x80000048  }
0xb5: {  	_ =	swait.ge [sflag:s29], $0x1  }
0xb6: {  	[sflag:s29] =	ssyncadd.s32 $0xFFFFFFFF  }
0xb7: {  	_ =	strace $0x90000048  }
0xb8: {  	_ =	sfence  }
0xb9: {  	s30 =	sld [smem:$0x0];
	_ =	sdelay $0x2  }
0xba: {  	s31 =	sshll.u32 s1, $0xD;
	s1 =	sshrl.u32 s1, $0x2  }
0xbb: {  	s3 =	sand.u32 $0x4000, s31;
	s1 =	sadd.s32 s1, s30  }
0xbc: {  	s0 =	sor.u32 s3, s0;
	s1 =	sshll.u32 s1, $0x11  }
0xbd: {  	s0 =	sor.u32 s1, s0  }
0xbe: {  	s0 =	sadd.s32 $0x8F2B, s0  }
0xbf: {  	[sflag:s0] =	ssyncadd.remote.s32 $0x1  }
0xc0: {  	_ =	sfence.sel $0xFFFF  }
0xc1: {  	[dreg:$0x0] =	wrdreg $0xFFFFFFFF;
	(pc) =	sbr.abs _section_cstart, $3  }
0xc2: {  	[dreg:$0x1] =	wrdreg $0xFFFFFFFF  }
0xc3: {  	_ =	task.clear_ibuf [dreg:s8], $0x2FFFF;
	_ =	strace $0x9FFFFFFF  }
0xc4: {  	(tm) =	ssettm $0x7FFFFFFF  }
0xc5: {  	_ =	shalt  }
tec
execute0_lowered:
.L_overlay_start_1:
0x0: {  	(tag) =	ssettag $0x1  }
0x1: {  	s3 =	rddreg [dreg:$0x0]  }
0x2: {  	s1 =	rddreg [dreg:$0x1];
	v0 =	vlaneseq.u32  }
0x3: {  	s5 =	rddreg [dreg:$0x2];
	s2 =	simm.s32 $0x0;
	v6 =	vmul.u32 $0x80, v0  }
0x4: {  	[smem:$0x7FF] =	sst s2  }
0x5: {  	s0 =	rddreg [dreg:$0x3];
	_ =	strace $0x80000047;
	v0 =	vor.u32 $0x800, v6;
	[tilespmem:$0x1FFA0] =	vst v6  }
0x6: {  	v56 =	vor.u32 $0x1000, v6;
	[tilespmem:$0x1FF00] =	vst v0  }
0x7: {  	v1 =	vor.u32 $0x4000, v6;
	[tilespmem:$0x1FF10] =	vst v56  }
0x8: {  	v57 =	vor.u32 $0x4800, v6;
	[tilespmem:$0x1FF20] =	vst v1  }
0x9: {  	v58 =	vor.u32 $0x5000, v6;
	[tilespmem:$0x1FF30] =	vst v57  }
0xa: {  	s4 =	srdreg.scid;
	s12 =	simm.s32 $0x4200;
	s13 =	simm.s32 $0x10200;
	v59 =	vor.u32 $0x5800, v6;
	[tilespmem:$0x1FF40] =	vst v58  }
0xb: {  	s14 =	simm.s32 $0x3;
	s15 =	simm.s32 $0x1;
	s16 =	simm.s32 $0x100;
	v60 =	vor.u32 $0x6000, v6;
	[tilespmem:$0x1FF50] =	vst v59  }
0xc: {  	s17 =	simm.s32 $0x8200;
	s18 =	simm.s32 $0x2;
	s19 =	simm.s32 $0x180;
	v61 =	vor.u32 $0x6800, v6;
	[tilespmem:$0x1FF60] =	vst v60  }
0xd: {  	s20 =	simm.s32 $0xC200;
	s21 =	simm.s32 $0x10480;
	s6 =	sand.u32 $0x1, s4;
	v62 =	vor.u32 $0x7000, v6;
	[tilespmem:$0x1FF70] =	vst v61  }
0xe: {  	s22 =	simm.s32 $0x10680;
	s23 =	simm.s32 $0x0;
	s4 =	sshll.u32 s6, $0x6;
	v63 =	vor.u32 $0x7800, v6;
	[tilespmem:$0x1FF80] =	vst v62  }
0xf: {  	s8 =	ssub.s32 $0x2, s6;
	s6 =	sshll.u32 s6, $0x7;
	s7 =	sadd.s32 s4, s3;
	v16 =	vor.u32 $0x1800, v6;
	[tilespmem:$0x1FF90] =	vst v63  }
0x10: {  	s4 =	sadd.s32 $0xE00, s3;
	s3 =	stileid.u32;
	s10 =	sshrl.u32 s8, $0x1;
	v17 =	vor.u32 $0x2000, v6;
	[tilespmem:$0x1FFB0] =	vst v16  }
0x11: {  	v15 =	vor.u32 $0x2800, v6;
	s9 =	sshll.u32 s3, $0x8;
	s11 =	sshll.u32 s3, $0x7;
	s8 =	ssub.s32 s8, s10;
	[tilespmem:$0x1FFC0] =	vst v17  }
0x12: {  	v4 =	vor.u32 $0x3000, v6;
	s10 =	simm.s32 $0x80;
	[tilespmem:$0x1FFD0] =	vst v15;
	s6 =	sor.u32 s6, s9;
	s7 =	sadd.s32 s11, s7  }
0x13: {  	v18 =	vor.u32 $0x3800, v6;
	[tilespmem:$0x1FFE0] =	vst v4;
	s8 =	smax.u32 s8, $0x1;
	s9 =	simm.s32 $0x4;
	s5 =	sadd.s32 s5, s6  }
0x14: {  	[tilespmem:$0x1FFF0] =	vst v18;
	s11 =	simm.s32 $0x200;
	s6 =	sadd.s32 $0x600, s7;
	s7 =	sadd.s32 $0x10, s5  }
.LBB2_1:
0x15: {  	[tilespmem:s2], [sflag:$0x4] =	stream.linear.gather [hbm4b:s6+s2], $0x200, $0x38;
	[tilespmem:$0x10880] =	vst v63  }
0x16: {  	_ =	swait.ge [sflag:s9], $0x200  }
0x17: {  	[sflag:s9] =	ssyncset.done $0x0  }
0x18: {  	[sflag:s9] =	ssyncadd.s32 $0xFFFFFE00  }
0x19: {  	[tilespmem:s11], [sflag:$0x1] =	stream.indirect.gather [hbm4b:s1+s10], $0x80, s2, s10, $0xb8;
	[tilespmem:$0x10880] =	vst v63  }
0x1a: {  	_ = 	snop  }
0x1b: {  	[tilespmem:s12], [sflag:$0x2] =	stream.indirect.gather [hbm4b:s1+s10], $0x80, s10, s10, $0xb8;
	[tilespmem:$0x10880] =	vst v63  }
0x1c: {  	v1 =	vimm.s32 $0x200  }
0x1d: {  	[tilespmem:s13], [sflag:$0x3] =	stream.linear.gather [hbm4b:s4+s2], $0x280, $0x38;
	[tilespmem:$0x10880] =	vst v63  }
0x1e: {  	_ =	swait.ge [sflag:s14], $0x280  }
0x1f: {  	[sflag:s14] =	ssyncset.done $0x0  }
0x20: {  	[sflag:s14] =	ssyncadd.s32 $0xFFFFFD80  }
0x21: {  	v0 =	vld.idx.msk [tilespmem:v1+s13+$0x0], $0xffff;
	v1 =	vimm.s32 $0x201;
	_ =	sdelay $0x4  }
0x22: {  	[tilespmem:$0x1FEE0] =	vst v0;
	v0 =	vld.idx.msk [tilespmem:v1+s13+$0x0], $0xffff;
	_ =	sdelay $0x4  }
0x23: {  	[tilespmem:$0x1FEF0] =	vst v0  }
0x24: {  	s24 =	simm.s32 $0x1;
	v0 =	vlaneseq.u32;
	_ =	swait.ge [sflag:s15], $0x4000  }
0x25: {  	v2 =	vadd.s32 s24, v0;
	[sflag:s15] =	ssyncset.done $0x0  }
0x26: {  	s30 =	simm.s32 $0x10301;
	v2 =	vand.u32 $0x7F, v2;
	v8 =	vld [tilespmem:$0x1FF10];
	[sflag:s15] =	ssyncadd.s32 $0xFFFFC000  }
0x27: {  	v19 =	vadd.s32 s2, v0;
	v1 =	vld [tilespmem:$0x1FF00];
	v3 =	vor.u32 v6, v2;
	[tilespmem:s17], [sflag:$0x1] =	stream.indirect.gather [hbm4b:s1+s10], $0x80, s16, s10, $0xb8  }
0x28: {  	v19 =	vand.u32 $0x7F, v19;
	v20 =	vor.u32 v15, v2;
	v30 =	vld [tilespmem:s30+$0xFFFFFEFF]  }
0x29: {  	v21 =	vor.u32 v6, v19;
	v28 =	vld [tilespmem:s30+$0xFFFFFF00]  }
0x2a: {  	v23 =	vor.u32 v17, v19;
	v29 =	vld [tilespmem:s30+$0x0]  }
0x2b: {  	v25 =	vor.u32 v18, v2;
	v32 =	vld [tilespmem:s30+$0xFFFFFFFF]  }
0x2c: {  	v26 =	vor.u32 v18, v19;
	v3 =	vld.idx.msk [tilespmem:v3+s11+$0x0], $0xffff  }
0x2d: {  	v34 =	vor.u32 v15, v19;
	v20 =	vld.idx.msk [tilespmem:v20+s11+$0x0], $0xffff  }
0x2e: {  	v22 =	vor.u32 v8, v19;
	v21 =	vld.idx.msk [tilespmem:v21+s11+$0x0], $0xffff  }
0x2f: {  	v24 =	vor.u32 v8, v2;
	v33 =	vld.idx.msk [tilespmem:v23+s11+$0x0], $0xffff  }
0x30: {  	v27 =	vor.u32 v1, v19;
	v25 =	vld.idx.msk [tilespmem:v25+s11+$0x0], $0xffff  }
0x31: {  	v31 =	vor.u32 v16, v19;
	v26 =	vld.idx.msk [tilespmem:v26+s11+$0x0], $0xffff  }
0x32: {  	v19 =	vor.u32 v4, v19;
	v46 =	vld.idx.msk [tilespmem:v34+s11+$0x0], $0xffff  }
0x33: {  	v22 =	vld.idx.msk [tilespmem:v22+s11+$0x0], $0xffff  }
0x34: {  	v37 =	vimm.f32 $0.0e+00;
	v35 =	vor.u32 v17, v2;
	v36 =	vld.idx.msk [tilespmem:v24+s11+$0x0], $0xffff  }
0x35: {  	v23 =	vor.u32 v4, v2;
	v43 =	vld.idx.msk [tilespmem:v27+s11+$0x0], $0xffff;
	v38 =	vmul.f32 v3, v29;
	v9 =	vmul.f32 v20, v28  }
0x36: {  	v24 =	vor.u32 v1, v2;
	v27 =	vld.idx.msk [tilespmem:v31+s11+$0x0], $0xffff;
	v39 =	vmul.f32 v21, v30;
	v21 =	vmul.f32 v21, v32  }
0x37: {  	v2 =	vor.u32 v16, v2;
	v42 =	vld.idx.msk [tilespmem:v19+s11+$0x0], $0xffff;
	v3 =	vmul.f32 v3, v28;
	v45 =	vmul.f32 v26, v32  }
0x38: {  	v41 =	vmul.f32 v25, v29;
	v26 =	vmul.f32 v26, v30;
	v31 =	vadd.f32 v39, v37  }
0x39: {  	v59 =	vmul.f32 v46, v30;
	v21 =	vadd.f32 v21, v37;
	v63 =	vadd.f32 v45, v37  }
0x3a: {  	v40 =	vmul.f32 v22, v30;
	v22 =	vmul.f32 v22, v32;
	v10 =	vadd.f32 v3, v31  }
0x3b: {  	v55 =	vld.idx.msk [tilespmem:v23+s11+$0x0], $0xffff;
	v31 =	vmul.f32 v33, v30;
	v23 =	vadd.f32 v38, v21;
	v21 =	vmul.f32 v36, v28  }
0x3c: {  	v50 =	vadd.f32 v26, v37;
	v47 =	vmul.f32 v27, v32;
	v14 =	vmul.f32 v42, v32  }
0x3d: {  	v35 =	vld.idx.msk [tilespmem:v35+s11+$0x0], $0xffff;
	v38 =	vmul.f32 v25, v28;
	v7 =	vmul.f32 v27, v30;
	v61 =	vadd.f32 v40, v37  }
0x3e: {  	s31 =	simm.s32 $0x3;
	v44 =	vld.idx.msk [tilespmem:v24+s11+$0x0], $0xffff;
	v25 =	vadd.f32 v41, v63;
	v62 =	vadd.f32 v22, v37;
	v22 =	vmul.f32 v20, v29  }
0x3f: {  	v2 =	vld.idx.msk [tilespmem:v2+s11+$0x0], $0xffff;
	v20 =	vmul.f32 v36, v29;
	v11 =	vadd.f32 v21, v61;
	v21 =	vadd.s32 s31, v0  }
0x40: {  	v13 =	vadd.f32 v31, v37;
	v31 =	vmul.f32 v33, v32;
	v52 =	vand.u32 $0x7F, v21  }
0x41: {  	s24 =	simm.s32 $0x10303;
	v42 =	vmul.f32 v42, v30;
	v24 =	vadd.f32 v20, v62;
	v41 =	vor.u32 v6, v52  }
0x42: {  	v26 =	vld [tilespmem:s24+$0xFFFFFEFF];
	v45 =	vadd.f32 v31, v37;
	v31 =	vmul.f32 v55, v28;
	v3 =	vor.u32 v15, v52  }
0x43: {  	s25 =	simm.s32 $0x2;
	v27 =	vld [tilespmem:s24+$0xFFFFFFFF];
	v62 =	vmul.f32 v35, v28;
	v12 =	vmul.f32 v44, v28;
	v19 =	vor.u32 v8, v52  }
0x44: {  	v51 =	vmul.f32 v2, v28;
	v21 =	vadd.s32 s25, v0;
	v28 =	vld [tilespmem:s24+$0x0];
	v20 =	vor.u32 v18, v52  }
0x45: {  	v56 =	vadd.f32 v7, v37;
	v49 =	vand.u32 $0x7F, v21;
	v21 =	vld [tilespmem:s24+$0xFFFFFF00];
	v7 =	vor.u32 v1, v52  }
0x46: {  	v40 =	vmul.f32 v43, v32;
	v47 =	vadd.f32 v47, v37;
	v57 =	vor.u32 v6, v49;
	v53 =	vld.idx.msk [tilespmem:v41+s11+$0x0], $0xffff  }
0x47: {  	v33 =	vmul.f32 v2, v29;
	v60 =	vor.u32 v8, v49;
	v63 =	vor.u32 v17, v49;
	v34 =	vld.idx.msk [tilespmem:v3+s11+$0x0], $0xffff  }
0x48: {  	v3 =	vmul.f32 v46, v32;
	v32 =	vadd.f32 v38, v50;
	v38 =	vadd.f32 v51, v56;
	v51 =	vld.idx.msk [tilespmem:v19+s11+$0x0], $0xffff  }
0x49: {  	v43 =	vmul.f32 v43, v30;
	v48 =	vor.u32 v18, v49;
	v30 =	vadd.f32 v33, v47;
	v33 =	vld.idx.msk [tilespmem:v20+s11+$0x0], $0xffff  }
0x4a: {  	v54 =	vmul.f32 v35, v29;
	v58 =	vor.u32 v1, v49;
	v56 =	vadd.f32 v42, v37;
	v42 =	vld.idx.msk [tilespmem:v7+s11+$0x0], $0xffff  }
0x4b: {  	v59 =	vadd.f32 v59, v37;
	v40 =	vadd.f32 v40, v37;
	v61 =	vor.u32 v16, v49;
	v2 =	vld.idx.msk [tilespmem:v57+s11+$0x0], $0xffff  }
0x4c: {  	v43 =	vadd.f32 v43, v37;
	v39 =	vmul.f32 v44, v29;
	v36 =	vor.u32 v4, v52;
	v60 =	vld.idx.msk [tilespmem:v60+s11+$0x0], $0xffff  }
0x4d: {  	v35 =	vor.u32 v15, v49;
	v49 =	vor.u32 v4, v49;
	v8 =	vor.u32 v16, v52;
	v44 =	vld.idx.msk [tilespmem:v63+s11+$0x0], $0xffff  }
0x4e: {  	v47 =	vadd.f32 v54, v45;
	v40 =	vadd.f32 v39, v40;
	v41 =	vor.u32 v17, v52;
	v46 =	vld.idx.msk [tilespmem:v48+s11+$0x0], $0xffff  }
0x4f: {  	v48 =	vadd.f32 v62, v13;
	v57 =	vadd.f32 v14, v37;
	v39 =	vld.idx.msk [tilespmem:v58+s11+$0x0], $0xffff;
	v58 =	vmul.f32 v55, v29  }
0x50: {  	v52 =	vld.idx.msk [tilespmem:v61+s11+$0x0], $0xffff;
	v29 =	vadd.f32 v9, v59;
	v50 =	vmul.f32 v53, v28;
	v45 =	vmul.f32 v34, v21  }
0x51: {  	v13 =	vmovc v4;
	v54 =	vadd.f32 v3, v37;
	v3 =	vmul.f32 v2, v26;
	v20 =	vmul.f32 v60, v26  }
0x52: {  	v14 =	vmovc v6;
	v37 =	vadd.f32 v12, v43;
	v2 =	vmul.f32 v2, v27;
	v19 =	vmul.f32 v60, v27  }
0x53: {  	s25 =	simm.s32 $0x4;
	v3 =	vadd.f32 v3, v10;
	v55 =	vadd.f32 v20, v11;
	v20 =	vmul.f32 v53, v21;
	v53 =	vld.idx.msk [tilespmem:v8+s11+$0x0], $0xffff  }
.LBB2_2:
0x54: {  	v57 =	vadd.f32 v58, v57;
	v58 =	vmov v26;
	v2 =	vadd.f32 v2, v23  }
0x55: {  	v59 =	vld.idx.msk [tilespmem:v49+s11+$0x0], $0xffff;
	v34 =	vmul.f32 v34, v28;
	v49 =	vmov v27;
	v27 =	vmul.f32 v44, v58  }
0x56: {  	v60 =	vmovc v28;
	v11 =	vmul.f32 v52, v58;
	v23 =	vadd.f32 v50, v2;
	v50 =	vmul.f32 v52, v49  }
0x57: {  	v3 =	vadd.f32 v20, v3;
	v20 =	vmul.f32 v51, v60;
	v26 =	vmul.f32 v33, v60  }
0x58: {  	v28 =	vld.idx.msk [tilespmem:v41+s11+$0x0], $0xffff;
	v56 =	vadd.f32 v31, v56;
	v31 =	vmul.f32 v46, v49;
	v2 =	vmul.f32 v51, v21  }
0x59: {  	v10 =	vmul.f32 v46, v58;
	v48 =	vadd.f32 v27, v48;
	v27 =	vmul.f32 v44, v49  }
0x5a: {  	v0 =	vlaneseq.u32;
	v33 =	vmul.f32 v33, v21;
	v62 =	vmul.f32 v42, v21  }
0x5b: {  	v19 =	vadd.f32 v19, v24;
	v51 =	vmul.f32 v53, v21;
	v46 =	vmul.f32 v53, v60  }
0x5c: {  	s26 =	smov.u32 s25;
	v43 =	vmovc v45;
	v54 =	vadd.f32 v22, v54;
	v42 =	vmul.f32 v42, v60;
	v61 =	vmul.f32 v59, v49  }
0x5d: {  	v45 =	vld.idx.msk [tilespmem:v35+s11+$0x0], $0xffff;
	s28 =	sadd.s32 $0x1, s26;
	v38 =	vadd.f32 v11, v38;
	v52 =	vmul.f32 v28, v60;
	v7 =	vmul.f32 v28, v21  }
0x5e: {  	v24 =	vadd.f32 v20, v19;
	v20 =	vld.idx.msk [tilespmem:v36+s11+$0x0], $0xffff;
	v55 =	vadd.f32 v2, v55;
	v2 =	vadd.s32 s28, v0  }
0x5f: {  	s24 =	sadd.s32 $0x2, s24;
	v25 =	vadd.f32 v31, v25;
	v32 =	vadd.f32 v10, v32;
	v10 =	vld [tilespmem:$0x1FF10];
	v2 =	vand.u32 $0x7F, v2  }
0x60: {  	v28 =	vld [tilespmem:s24+$0x0];
	v30 =	vadd.f32 v50, v30;
	v47 =	vadd.f32 v27, v47;
	v41 =	vor.u32 v14, v2  }
0x61: {  	v27 =	vld [tilespmem:s24+$0xFFFFFFFF];
	v25 =	vadd.f32 v26, v25;
	v44 =	vor.u32 v15, v2;
	v26 =	vadd.s32 s26, v0  }
0x62: {  	v19 =	vmul.f32 v39, v49;
	v0 =	vld [tilespmem:$0x1FF00];
	v11 =	vor.u32 v18, v2;
	v53 =	vand.u32 $0x7F, v26  }
0x63: {  	v5 =	vmul.f32 v45, v58;
	v39 =	vmul.f32 v39, v58;
	v26 =	vld [tilespmem:s24+$0xFFFFFEFF];
	v63 =	vor.u32 v14, v53  }
0x64: {  	v22 =	vmovc v34;
	v12 =	vmul.f32 v45, v49;
	v31 =	vmul.f32 v20, v21;
	v6 =	vor.u32 v10, v53;
	v21 =	vld [tilespmem:s24+$0xFFFFFF00]  }
0x65: {  	v38 =	vadd.f32 v51, v38;
	v30 =	vadd.f32 v46, v30;
	v8 =	vor.u32 v17, v53;
	v9 =	vld.idx.msk [tilespmem:v41+s11+$0x0], $0xffff  }
0x66: {  	v48 =	vadd.f32 v7, v48;
	v19 =	vadd.f32 v19, v40;
	v40 =	vor.u32 v18, v53;
	v34 =	vld.idx.msk [tilespmem:v44+s11+$0x0], $0xffff  }
0x67: {  	v57 =	vadd.f32 v61, v57;
	v32 =	vadd.f32 v33, v32;
	v1 =	vor.u32 v16, v53;
	v33 =	vld.idx.msk [tilespmem:v11+s11+$0x0], $0xffff  }
0x68: {  	v36 =	vor.u32 v13, v2;
	v37 =	vadd.f32 v39, v37;
	v4 =	vor.u32 v0, v53;
	v63 =	vld.idx.msk [tilespmem:v63+s11+$0x0], $0xffff  }
0x69: {  	v7 =	vor.u32 v16, v2;
	v47 =	vadd.f32 v52, v47;
	v35 =	vor.u32 v15, v53;
	v6 =	vld.idx.msk [tilespmem:v6+s11+$0x0], $0xffff  }
0x6a: {  	v49 =	vor.u32 v13, v53;
	v10 =	vor.u32 v10, v2;
	v53 =	vmul.f32 v59, v58;
	v44 =	vld.idx.msk [tilespmem:v8+s11+$0x0], $0xffff  }
0x6b: {  	p0 =	slt.u32 s25, $0x7E;
	v54 =	vadd.f32 v12, v54;
	v37 =	vadd.f32 v62, v37;
	v8 =	vor.u32 v0, v2;
	v46 =	vld.idx.msk [tilespmem:v40+s11+$0x0], $0xffff  }
.Ltmp0:
0x6c: {  	v41 =	vor.u32 v17, v2;
	v58 =	vmul.f32 v20, v60;
	v56 =	vadd.f32 v53, v56;
	v52 =	vld.idx.msk [tilespmem:v1+s11+$0x0], $0xffff;
	(pc) =	sbr.rel @p0 .LBB2_2-.Ltmp0, $4  }
0x6d: {  	v50 =	vmul.f32 v9, v28;
	v45 =	vmul.f32 v34, v21;
	v39 =	vld.idx.msk [tilespmem:v4+s11+$0x0], $0xffff;
	v4 =	vadd.f32 v5, v29  }
0x6e: {  	v40 =	vadd.f32 v42, v19;
	v53 =	vld.idx.msk [tilespmem:v7+s11+$0x0], $0xffff;
	v61 =	vmul.f32 v63, v26;
	v1 =	vmul.f32 v6, v26  }
0x6f: {  	v51 =	vld.idx.msk [tilespmem:v10+s11+$0x0], $0xffff;
	v20 =	vmul.f32 v9, v21;
	v2 =	vmul.f32 v63, v27;
	v29 =	vadd.f32 v43, v4  }
0x70: {  	s25 =	sadd.s32 $0x2, s25;
	v42 =	vld.idx.msk [tilespmem:v8+s11+$0x0], $0xffff;
	v19 =	vmul.f32 v6, v27;
	v3 =	vadd.f32 v61, v3;
	v55 =	vadd.f32 v1, v55  }
0x71: {  	v4 =	vadd.f32 v58, v57  }
0x72: {  	v6 =	vadd.f32 v31, v56;
	v2 =	vadd.f32 v2, v23;
	v8 =	vmul.f32 v44, v26  }
0x73: {  	v7 =	vadd.f32 v22, v54;
	v9 =	vmul.f32 v46, v27;
	v11 =	vmul.f32 v52, v27  }
0x74: {  	v12 =	vmul.f32 v44, v27;
	v22 =	vmul.f32 v46, v26;
	v1 =	vadd.f32 v19, v24  }
0x75: {  	v3 =	vadd.f32 v20, v3;
	v19 =	vmul.f32 v52, v26;
	v2 =	vadd.f32 v50, v2  }
0x76: {  	v23 =	vld.idx.msk [tilespmem:v49+s11+$0x0], $0xffff;
	v9 =	vadd.f32 v9, v25;
	v8 =	vadd.f32 v8, v48;
	v24 =	vmul.f32 v53, v21  }
0x77: {  	v13 =	vld [tilespmem:$0x1FEE0];
	v12 =	vadd.f32 v12, v47;
	v25 =	vmul.f32 v39, v26;
	v31 =	vmul.f32 v53, v28  }
0x78: {  	v0 =	vld [tilespmem:$0x1FEF0];
	v22 =	vadd.f32 v22, v32;
	v11 =	vadd.f32 v11, v30;
	v5 =	vmul.f32 v51, v28  }
0x79: {  	v10 =	vmul.f32 v51, v21;
	v19 =	vadd.f32 v19, v38;
	v25 =	vadd.f32 v25, v37  }
0x7a: {  	v20 =	vld.idx.msk [tilespmem:v41+s11+$0x0], $0xffff;
	v41 =	vmul.f32 v42, v28;
	v11 =	vadd.f32 v31, v11;
	v1 =	vadd.f32 v5, v1  }
0x7b: {  	v5 =	vmul.f32 v39, v27;
	v10 =	vadd.f32 v10, v55;
	v39 =	vmul.f32 v42, v21  }
0x7c: {  	v30 =	vld.idx.msk [tilespmem:v35+s11+$0x0], $0xffff;
	v19 =	vadd.f32 v24, v19;
	v3 =	vadd.f32 v3, v13;
	v42 =	vmul.f32 v23, v27  }
0x7d: {  	v2 =	vadd.f32 v2, v0;
	v5 =	vadd.f32 v5, v40  }
0x7e: {  	v31 =	vld.idx.msk [tilespmem:v36+s11+$0x0], $0xffff;
	v43 =	vmul.f32 v23, v26;
	v25 =	vadd.f32 v39, v25;
	v4 =	vadd.f32 v42, v4  }
0x7f: {  	v24 =	vmul.f32 v20, v21;
	[tilespmem:$0x10480] =	vst v3;
	v1 =	vadd.f32 v1, v0;
	v5 =	vadd.f32 v41, v5  }
0x80: {  	v20 =	vmul.f32 v20, v28;
	[tilespmem:$0x10680] =	vst v2;
	v6 =	vadd.f32 v43, v6;
	v3 =	vadd.f32 v25, v13  }
0x81: {  	v8 =	vadd.f32 v24, v8;
	[tilespmem:$0x106A0] =	vst v1;
	v2 =	vadd.f32 v5, v0;
	v5 =	vmul.f32 v30, v26  }
0x82: {  	v24 =	vmul.f32 v30, v27;
	v12 =	vadd.f32 v20, v12;
	[tilespmem:$0x10490] =	vst v3;
	v3 =	vadd.f32 v10, v13  }
0x83: {  	v1 =	vadd.f32 v11, v0;
	[tilespmem:$0x10690] =	vst v2;
	v2 =	vadd.f32 v5, v29  }
0x84: {  	v7 =	vadd.f32 v24, v7;
	[tilespmem:$0x104A0] =	vst v3;
	v3 =	vadd.f32 v19, v13;
	v5 =	vmul.f32 v34, v28  }
0x85: {  	v44 =	vmul.f32 v31, v21;
	[tilespmem:$0x106B0] =	vst v1;
	v1 =	vadd.f32 v12, v0;
	v2 =	vadd.f32 v45, v2  }
0x86: {  	[tilespmem:$0x104B0] =	vst v3;
	v3 =	vadd.f32 v8, v13;
	v45 =	vmul.f32 v31, v28;
	v5 =	vadd.f32 v5, v7  }
0x87: {  	v46 =	vmul.f32 v33, v21;
	v6 =	vadd.f32 v44, v6;
	[tilespmem:$0x106C0] =	vst v1;
	v2 =	vadd.f32 v2, v13  }
0x88: {  	[tilespmem:$0x104C0] =	vst v3;
	v3 =	vmul.f32 v33, v28;
	v4 =	vadd.f32 v45, v4;
	v1 =	vadd.f32 v5, v0  }
0x89: {  	v5 =	vadd.f32 v46, v22;
	[tilespmem:$0x104D0] =	vst v2;
	v2 =	vadd.f32 v6, v13  }
0x8a: {  	v3 =	vadd.f32 v3, v9;
	[tilespmem:$0x106D0] =	vst v1;
	v1 =	vadd.f32 v4, v0  }
0x8b: {  	[tilespmem:$0x104E0] =	vst v2;
	v2 =	vadd.f32 v5, v13  }
0x8c: {  	[tilespmem:$0x106E0] =	vst v1;
	v1 =	vadd.f32 v3, v0  }
0x8d: {  	[tilespmem:$0x104F0] =	vst v2  }
0x8e: {  	[tilespmem:$0x106F0] =	vst v1  }
0x8f: {  	_ =	swait.ge [sflag:s18], $0x4000  }
0x90: {  	v13 =	vld [tilespmem:$0x1FF20]  }
0x91: {  	v18 =	vld [tilespmem:$0x1FF70]  }
0x92: {  	v15 =	vld [tilespmem:$0x1FF40]  }
0x93: {  	v17 =	vld [tilespmem:$0x1FF60]  }
0x94: {  	s24 =	simm.s32 $0x1;
	v47 =	vlaneseq.u32;
	v0 =	vld [tilespmem:$0x1FF90]  }
0x95: {  	v1 =	vadd.s32 s24, v47;
	[sflag:s18] =	ssyncset.done $0x0;
	v14 =	vld [tilespmem:$0x1FF30]  }
0x96: {  	s29 =	simm.s32 $0x0;
	s30 =	simm.s32 $0x10301;
	v1 =	vand.u32 $0x7F, v1;
	v16 =	vld [tilespmem:$0x1FF50];
	[sflag:s18] =	ssyncadd.s32 $0xFFFFC000  }
0x97: {  	v3 =	vadd.s32 s29, v47;
	v63 =	vld [tilespmem:$0x1FF80];
	[tilespmem:s20], [sflag:$0x2] =	stream.indirect.gather [hbm4b:s1+s10], $0x80, s19, s10, $0xb8;
	v2 =	vor.u32 v13, v1  }
0x98: {  	v3 =	vand.u32 $0x7F, v3;
	v5 =	vld [tilespmem:s30+$0xFFFFFEFF];
	v4 =	vor.u32 v18, v1  }
0x99: {  	v50 =	vld [tilespmem:s30+$0xFFFFFF00];
	v48 =	vor.u32 v13, v3  }
0x9a: {  	v29 =	vld [tilespmem:s30+$0x0];
	v49 =	vor.u32 v15, v3  }
0x9b: {  	v19 =	vld [tilespmem:s30+$0xFFFFFFFF];
	v55 =	vor.u32 v17, v3  }
0x9c: {  	v57 =	vor.u32 v0, v1;
	v2 =	vld.idx.msk [tilespmem:v2+s11+$0x0], $0xffff  }
0x9d: {  	v12 =	vor.u32 v0, v3;
	v4 =	vld.idx.msk [tilespmem:v4+s11+$0x0], $0xffff  }
0x9e: {  	v20 =	vor.u32 v14, v3;
	v6 =	vld.idx.msk [tilespmem:v48+s11+$0x0], $0xffff  }
0x9f: {  	v56 =	vor.u32 v15, v1;
	v26 =	vor.u32 v17, v1;
	v7 =	vld.idx.msk [tilespmem:v49+s11+$0x0], $0xffff  }
0xa0: {  	v21 =	vor.u32 v16, v3;
	v25 =	vor.u32 v18, v3;
	v3 =	vor.u32 v63, v3;
	v9 =	vld.idx.msk [tilespmem:v55+s11+$0x0], $0xffff  }
0xa1: {  	v23 =	vor.u32 v63, v1;
	v24 =	vor.u32 v14, v1;
	v1 =	vor.u32 v16, v1;
	v11 =	vld.idx.msk [tilespmem:v57+s11+$0x0], $0xffff  }
0xa2: {  	v12 =	vld.idx.msk [tilespmem:v12+s11+$0x0], $0xffff  }
0xa3: {  	s25 =	simm.s32 $0x2;
	v37 =	vimm.f32 $0.0e+00;
	v20 =	vld.idx.msk [tilespmem:v20+s11+$0x0], $0xffff  }
0xa4: {  	v61 =	vld.idx.msk [tilespmem:v26+s11+$0x0], $0xffff;
	v26 =	vadd.s32 s25, v47;
	v27 =	vmul.f32 v2, v29;
	v43 =	vmul.f32 v4, v50  }
0xa5: {  	v3 =	vld.idx.msk [tilespmem:v3+s11+$0x0], $0xffff;
	v44 =	vand.u32 $0x7F, v26;
	v22 =	vmul.f32 v6, v5;
	v28 =	vmul.f32 v7, v5  }
0xa6: {  	v1 =	vld.idx.msk [tilespmem:v1+s11+$0x0], $0xffff;
	v36 =	vor.u32 v13, v44;
	v6 =	vmul.f32 v6, v19;
	v7 =	vmul.f32 v7, v19  }
0xa7: {  	v46 =	vor.u32 v15, v44;
	v2 =	vmul.f32 v2, v50;
	v58 =	vmul.f32 v11, v29  }
0xa8: {  	v52 =	vor.u32 v16, v44;
	v31 =	vmul.f32 v9, v5;
	v59 =	vmul.f32 v12, v19  }
0xa9: {  	v10 =	vld.idx.msk [tilespmem:v56+s11+$0x0], $0xffff;
	v48 =	vor.u32 v17, v44;
	v60 =	vmul.f32 v20, v19;
	v12 =	vmul.f32 v12, v5  }
0xaa: {  	v35 =	vor.u32 v18, v44;
	v9 =	vmul.f32 v9, v19;
	v39 =	vmul.f32 v3, v19  }
0xab: {  	v49 =	vor.u32 v63, v44;
	v11 =	vmul.f32 v11, v50;
	v40 =	vmul.f32 v1, v50  }
0xac: {  	v45 =	vmul.f32 v61, v29;
	v8 =	vmul.f32 v61, v50;
	v30 =	vadd.f32 v22, v37  }
0xad: {  	s24 =	simm.s32 $0x10303;
	v21 =	vld.idx.msk [tilespmem:v21+s11+$0x0], $0xffff;
	v28 =	vadd.f32 v28, v37;
	v7 =	vadd.f32 v7, v37;
	v22 =	vmul.f32 v4, v29  }
0xae: {  	v26 =	vld [tilespmem:s24+$0xFFFFFEFF];
	v4 =	vmul.f32 v10, v29;
	v42 =	vadd.f32 v2, v30;
	v2 =	vadd.f32 v6, v37  }
0xaf: {  	v3 =	vmul.f32 v3, v5;
	v33 =	vadd.f32 v31, v37;
	v9 =	vadd.f32 v9, v37;
	v30 =	vld.idx.msk [tilespmem:v24+s11+$0x0], $0xffff  }
0xb0: {  	v24 =	vadd.f32 v4, v7;
	v4 =	vld.idx.msk [tilespmem:v23+s11+$0x0], $0xffff;
	v23 =	vadd.f32 v27, v2;
	v2 =	vmul.f32 v10, v50  }
0xb1: {  	s31 =	simm.s32 $0x3;
	v20 =	vmul.f32 v20, v5;
	v12 =	vadd.f32 v12, v37;
	v61 =	vld.idx.msk [tilespmem:v36+s11+$0x0], $0xffff;
	v56 =	vadd.f32 v3, v37  }
0xb2: {  	v7 =	vadd.f32 v60, v37;
	v53 =	vadd.f32 v2, v28;
	v2 =	vadd.s32 s31, v47  }
0xb3: {  	v38 =	vld.idx.msk [tilespmem:v25+s11+$0x0], $0xffff;
	v32 =	vadd.f32 v11, v12;
	v27 =	vadd.f32 v59, v37;
	v2 =	vand.u32 $0x7F, v2  }
0xb4: {  	v52 =	vld.idx.msk [tilespmem:v52+s11+$0x0], $0xffff;
	v10 =	vmul.f32 v21, v19;
	v21 =	vmul.f32 v21, v5;
	v62 =	vor.u32 v13, v2  }
0xb5: {  	v1 =	vmul.f32 v1, v29;
	v11 =	vadd.f32 v20, v37;
	v25 =	vadd.f32 v58, v27;
	v27 =	vld [tilespmem:s24+$0xFFFFFFFF]  }
0xb6: {  	v3 =	vmul.f32 v61, v26;
	v47 =	vadd.f32 v21, v37;
	v21 =	vld [tilespmem:s24+$0xFFFFFF00];
	v34 =	vor.u32 v18, v2  }
0xb7: {  	v58 =	vor.u32 v14, v44;
	v28 =	vld [tilespmem:s24+$0x0];
	v55 =	vmul.f32 v30, v50;
	v57 =	vor.u32 v15, v2  }
0xb8: {  	v31 =	vmul.f32 v4, v50;
	v50 =	vor.u32 v0, v44;
	v44 =	vld.idx.msk [tilespmem:v48+s11+$0x0], $0xffff;
	v54 =	vor.u32 v0, v2  }
0xb9: {  	v59 =	vmul.f32 v38, v5;
	v19 =	vmul.f32 v38, v19;
	v10 =	vadd.f32 v10, v37;
	v6 =	vld.idx.msk [tilespmem:v62+s11+$0x0], $0xffff  }
0xba: {  	v60 =	vmul.f32 v30, v29;
	v48 =	vadd.f32 v8, v33;
	v3 =	vadd.f32 v3, v42;
	v62 =	vld.idx.msk [tilespmem:v46+s11+$0x0], $0xffff  }
0xbb: {  	v41 =	vor.u32 v17, v2;
	v36 =	vor.u32 v63, v2;
	v5 =	vor.u32 v14, v2;
	v34 =	vld.idx.msk [tilespmem:v34+s11+$0x0], $0xffff  }
0xbc: {  	v30 =	vadd.f32 v1, v10;
	v38 =	vadd.f32 v40, v47;
	v1 =	vor.u32 v16, v2;
	v51 =	vld.idx.msk [tilespmem:v57+s11+$0x0], $0xffff  }
0xbd: {  	v47 =	vadd.f32 v45, v9;
	v40 =	vadd.f32 v60, v7;
	v2 =	vmul.f32 v61, v27;
	v33 =	vld.idx.msk [tilespmem:v54+s11+$0x0], $0xffff  }
0xbe: {  	v57 =	vadd.f32 v39, v37;
	v54 =	vadd.f32 v19, v37;
	v39 =	vld.idx.msk [tilespmem:v58+s11+$0x0], $0xffff;
	v58 =	vmul.f32 v4, v29  }
0xbf: {  	v46 =	vld.idx.msk [tilespmem:v50+s11+$0x0], $0xffff;
	v61 =	vmul.f32 v62, v26;
	v19 =	vmul.f32 v62, v27;
	v62 =	vadd.f32 v59, v37  }
0xc0: {  	v42 =	vld.idx.msk [tilespmem:v5+s11+$0x0], $0xffff;
	v50 =	vmul.f32 v6, v28;
	v45 =	vmul.f32 v34, v21;
	v37 =	vadd.f32 v55, v11  }
0xc1: {  	s25 =	simm.s32 $0x4;
	v20 =	vmul.f32 v6, v21;
	v55 =	vadd.f32 v61, v53;
	v53 =	vld.idx.msk [tilespmem:v1+s11+$0x0], $0xffff;
	v29 =	vadd.f32 v43, v62  }
.LBB2_4:
0xc2: {  	p0 =	slt.u32 s25, $0x7E;
	v1 =	vadd.f32 v19, v24;
	v5 =	vmul.f32 v34, v28;
	v6 =	vadd.f32 v58, v57  }
0xc3: {  	v4 =	vld.idx.msk [tilespmem:v49+s11+$0x0], $0xffff;
	s24 =	sadd.s32 $0x2, s24;
	v7 =	vmovc v27;
	v8 =	vmovc v26;
	v9 =	vmov v28;
	v43 =	vmov v45;
	s26 =	smov.u32 s25;
	s25 =	sadd.s32 $0x2, s25;
	v12 =	vadd.f32 v31, v56  }
0xc4: {  	v2 =	vadd.f32 v2, v23;
	v10 =	vld.idx.msk [tilespmem:v35+s11+$0x0], $0xffff;
	v3 =	vadd.f32 v20, v3;
	v11 =	vmul.f32 v51, v9  }
0xc5: {  	v54 =	vadd.f32 v22, v54;
	v20 =	vmul.f32 v33, v9;
	v26 =	vmul.f32 v44, v8;
	v19 =	vld.idx.msk [tilespmem:v41+s11+$0x0], $0xffff  }
0xc6: {  	v27 =	vmul.f32 v46, v7;
	v28 =	vmul.f32 v46, v8;
	v24 =	vadd.f32 v11, v1;
	v1 =	vld.idx.msk [tilespmem:v36+s11+$0x0], $0xffff  }
0xc7: {  	v23 =	vadd.f32 v50, v2;
	v2 =	vmul.f32 v51, v21;
	v22 =	vmovc v5;
	v11 =	vmul.f32 v39, v7  }
0xc8: {  	v5 =	vmul.f32 v52, v7;
	v25 =	vadd.f32 v27, v25;
	v45 =	vadd.f32 v26, v48  }
0xc9: {  	s28 =	sadd.s32 $0x1, s26;
	v26 =	vmul.f32 v44, v7;
	v27 =	vlaneseq.u32;
	v55 =	vadd.f32 v2, v55  }
0xca: {  	v33 =	vmul.f32 v33, v21;
	v2 =	vadd.s32 s28, v27;
	v56 =	vmul.f32 v4, v7  }
0xcb: {  	v34 =	vmul.f32 v52, v8;
	v58 =	vmul.f32 v42, v21;
	v47 =	vadd.f32 v26, v47  }
0xcc: {  	v2 =	vand.u32 $0x7F, v2;
	v25 =	vadd.f32 v20, v25;
	v31 =	vmul.f32 v1, v21  }
0xcd: {  	v48 =	vmul.f32 v53, v21;
	v20 =	vor.u32 v13, v2;
	v36 =	vor.u32 v18, v2  }
0xce: {  	v46 =	vmul.f32 v53, v9;
	v26 =	vadd.s32 s26, v27;
	v52 =	vmul.f32 v19, v9  }
0xcf: {  	v38 =	vadd.f32 v34, v38;
	v32 =	vadd.f32 v28, v32;
	v44 =	vand.u32 $0x7F, v26;
	v27 =	vld [tilespmem:s24+$0xFFFFFFFF]  }
0xd0: {  	v59 =	vmul.f32 v10, v8;
	v49 =	vor.u32 v13, v44;
	v53 =	vor.u32 v14, v44;
	v26 =	vld [tilespmem:s24+$0xFFFFFEFF]  }
0xd1: {  	v50 =	vor.u32 v15, v44;
	v60 =	vor.u32 v16, v44;
	v19 =	vmul.f32 v19, v21;
	v21 =	vld [tilespmem:s24+$0xFFFFFF00]  }
0xd2: {  	v11 =	vadd.f32 v11, v40;
	v51 =	vor.u32 v17, v44;
	v35 =	vor.u32 v18, v44;
	v20 =	vld.idx.msk [tilespmem:v20+s11+$0x0], $0xffff  }
0xd3: {  	v42 =	vmul.f32 v42, v9;
	v57 =	vor.u32 v15, v2;
	v40 =	vor.u32 v0, v44;
	v28 =	vld [tilespmem:s24+$0x0]  }
0xd4: {  	v39 =	vmul.f32 v39, v8;
	v41 =	vor.u32 v17, v2;
	v61 =	vor.u32 v0, v2;
	v34 =	vld.idx.msk [tilespmem:v36+s11+$0x0], $0xffff  }
0xd5: {  	v5 =	vadd.f32 v5, v30;
	v7 =	vmul.f32 v10, v7;
	v36 =	vor.u32 v63, v2;
	v62 =	vld.idx.msk [tilespmem:v49+s11+$0x0], $0xffff  }
0xd6: {  	v4 =	vmul.f32 v4, v8;
	v32 =	vadd.f32 v33, v32;
	v49 =	vor.u32 v63, v44;
	v10 =	vld.idx.msk [tilespmem:v50+s11+$0x0], $0xffff  }
0xd7: {  	v37 =	vadd.f32 v39, v37;
	v8 =	vor.u32 v14, v2;
	v30 =	vadd.f32 v46, v5;
	v44 =	vld.idx.msk [tilespmem:v51+s11+$0x0], $0xffff  }
0xd8: {  	v38 =	vadd.f32 v48, v38;
	v48 =	vadd.f32 v19, v45;
	v46 =	vld.idx.msk [tilespmem:v40+s11+$0x0], $0xffff;
	v50 =	vmul.f32 v20, v28  }
0xd9: {  	v5 =	vor.u32 v16, v2;
	v47 =	vadd.f32 v52, v47;
	v51 =	vld.idx.msk [tilespmem:v57+s11+$0x0], $0xffff;
	v57 =	vadd.f32 v56, v6  }
.Ltmp1:
0xda: {  	v54 =	vadd.f32 v7, v54;
	v45 =	vmul.f32 v34, v21;
	v56 =	vadd.f32 v4, v12;
	v33 =	vld.idx.msk [tilespmem:v61+s11+$0x0], $0xffff;
	(pc) =	sbr.rel @p0 .LBB2_4-.Ltmp1, $4  }
0xdb: {  	v40 =	vadd.f32 v42, v11;
	v4 =	vmul.f32 v62, v26;
	v2 =	vmul.f32 v62, v27;
	v52 =	vld.idx.msk [tilespmem:v60+s11+$0x0], $0xffff  }
0xdc: {  	v7 =	vadd.f32 v59, v29;
	v6 =	vmul.f32 v10, v26;
	v19 =	vmul.f32 v10, v27;
	v39 =	vld.idx.msk [tilespmem:v53+s11+$0x0], $0xffff  }
0xdd: {  	v37 =	vadd.f32 v58, v37;
	v58 =	vmul.f32 v1, v9;
	v3 =	vadd.f32 v4, v3;
	v42 =	vld.idx.msk [tilespmem:v8+s11+$0x0], $0xffff  }
0xde: {  	v29 =	vadd.f32 v43, v7;
	v20 =	vmul.f32 v20, v21;
	v55 =	vadd.f32 v6, v55;
	v53 =	vld.idx.msk [tilespmem:v5+s11+$0x0], $0xffff  }
0xdf: {  	v1 =	vadd.f32 v19, v24  }
0xe0: {  	v4 =	vadd.f32 v58, v57;
	v5 =	vmul.f32 v51, v28;
	v6 =	vadd.f32 v31, v56  }
0xe1: {  	v2 =	vadd.f32 v2, v23;
	v8 =	vmul.f32 v44, v26;
	v9 =	vmul.f32 v46, v27  }
0xe2: {  	v7 =	vadd.f32 v22, v54;
	v10 =	vmul.f32 v51, v21;
	v12 =	vmul.f32 v44, v27  }
0xe3: {  	v22 =	vmul.f32 v46, v26;
	v23 =	vld.idx.msk [tilespmem:v49+s11+$0x0], $0xffff;
	v3 =	vadd.f32 v20, v3;
	v11 =	vmul.f32 v52, v27  }
0xe4: {  	v13 =	vld [tilespmem:$0x1FEE0];
	v19 =	vmul.f32 v52, v26;
	v1 =	vadd.f32 v5, v1;
	v2 =	vadd.f32 v50, v2  }
0xe5: {  	v0 =	vld [tilespmem:$0x1FEF0];
	v5 =	vmul.f32 v39, v27;
	v9 =	vadd.f32 v9, v25;
	v8 =	vadd.f32 v8, v48  }
0xe6: {  	v10 =	vadd.f32 v10, v55;
	v12 =	vadd.f32 v12, v47;
	v25 =	vmul.f32 v39, v26  }
0xe7: {  	v20 =	vld.idx.msk [tilespmem:v41+s11+$0x0], $0xffff;
	v22 =	vadd.f32 v22, v32;
	v19 =	vadd.f32 v19, v38;
	v39 =	vmul.f32 v42, v21  }
0xe8: {  	v11 =	vadd.f32 v11, v30;
	v24 =	vmul.f32 v53, v21;
	v31 =	vmul.f32 v53, v28  }
0xe9: {  	v5 =	vadd.f32 v5, v40;
	v25 =	vadd.f32 v25, v37;
	v40 =	vmul.f32 v42, v28  }
0xea: {  	v30 =	vld.idx.msk [tilespmem:v35+s11+$0x0], $0xffff;
	v3 =	vadd.f32 v3, v13;
	v41 =	vmul.f32 v23, v27;
	v2 =	vadd.f32 v2, v0  }
0xeb: {  	v42 =	vmul.f32 v23, v26;
	v1 =	vadd.f32 v1, v0;
	v11 =	vadd.f32 v31, v11  }
0xec: {  	v19 =	vadd.f32 v24, v19;
	v24 =	vmul.f32 v20, v21;
	v25 =	vadd.f32 v39, v25  }
0xed: {  	v31 =	vld.idx.msk [tilespmem:v36+s11+$0x0], $0xffff;
	v5 =	vadd.f32 v40, v5;
	[tilespmem:$0x10500] =	vst v3;
	v4 =	vadd.f32 v41, v4  }
0xee: {  	v20 =	vmul.f32 v20, v28;
	[tilespmem:$0x10700] =	vst v2;
	v6 =	vadd.f32 v42, v6;
	v3 =	vadd.f32 v25, v13  }
0xef: {  	[tilespmem:$0x10720] =	vst v1;
	v8 =	vadd.f32 v24, v8;
	v2 =	vadd.f32 v5, v0;
	v5 =	vmul.f32 v30, v26  }
0xf0: {  	v24 =	vmul.f32 v30, v27;
	v12 =	vadd.f32 v20, v12;
	[tilespmem:$0x10510] =	vst v3;
	v3 =	vadd.f32 v10, v13  }
0xf1: {  	v1 =	vadd.f32 v11, v0;
	[tilespmem:$0x10710] =	vst v2;
	v2 =	vadd.f32 v5, v29  }
0xf2: {  	v7 =	vadd.f32 v24, v7;
	v5 =	vmul.f32 v34, v28;
	[tilespmem:$0x10520] =	vst v3;
	v3 =	vadd.f32 v19, v13  }
0xf3: {  	[tilespmem:$0x10730] =	vst v1;
	v1 =	vadd.f32 v12, v0;
	v43 =	vmul.f32 v31, v21;
	v2 =	vadd.f32 v45, v2  }
0xf4: {  	v44 =	vmul.f32 v31, v28;
	v5 =	vadd.f32 v5, v7;
	[tilespmem:$0x10530] =	vst v3;
	v3 =	vadd.f32 v8, v13  }
0xf5: {  	v45 =	vmul.f32 v33, v21;
	[tilespmem:$0x10740] =	vst v1;
	v6 =	vadd.f32 v43, v6;
	v2 =	vadd.f32 v2, v13  }
0xf6: {  	v4 =	vadd.f32 v44, v4;
	v1 =	vadd.f32 v5, v0;
	[tilespmem:$0x10540] =	vst v3;
	v3 =	vmul.f32 v33, v28  }
0xf7: {  	v5 =	vadd.f32 v45, v22;
	[tilespmem:$0x10550] =	vst v2;
	v2 =	vadd.f32 v6, v13  }
0xf8: {  	[tilespmem:$0x10750] =	vst v1;
	v1 =	vadd.f32 v4, v0;
	v3 =	vadd.f32 v3, v9  }
0xf9: {  	[tilespmem:$0x10560] =	vst v2;
	v2 =	vadd.f32 v5, v13  }
0xfa: {  	[tilespmem:$0x10760] =	vst v1;
	v1 =	vadd.f32 v3, v0  }
0xfb: {  	[tilespmem:$0x10570] =	vst v2  }
0xfc: {  	[tilespmem:$0x10770] =	vst v1  }
0xfd: {  	_ =	swait.ge [sflag:s15], $0x4000  }
0xfe: {  	v46 =	vld [tilespmem:$0x1FFA0];
	_ =	sdelay $0x2  }
0xff: {  	s24 =	simm.s32 $0x0;
	v0 =	vlaneseq.u32  }
0x100: {  	v1 =	vadd.s32 s24, v0  }
0x101: {  	s29 =	simm.s32 $0x1;
	v1 =	vand.u32 $0x7F, v1;
	[sflag:s15] =	ssyncset.done $0x0;
	v21 =	vor.u32 $0xA000, v46  }
0x102: {  	s25 =	simm.s32 $0x10301;
	v2 =	vadd.s32 s29, v0;
	[sflag:s15] =	ssyncadd.s32 $0xFFFFC000;
	v22 =	vor.u32 $0xB000, v46;
	v3 =	vor.u32 v21, v1  }
0x103: {  	v2 =	vand.u32 $0x7F, v2;
	v5 =	vld [tilespmem:s25+$0x0];
	v23 =	vor.u32 $0x8800, v46;
	v4 =	vor.u32 v22, v1  }
0x104: {  	v7 =	vld [tilespmem:s25+$0xFFFFFF00];
	v24 =	vor.u32 $0x8000, v46;
	v47 =	vor.u32 v23, v2  }
0x105: {  	v8 =	vld [tilespmem:s25+$0xFFFFFFFF];
	v25 =	vor.u32 $0xA800, v46;
	v48 =	vor.u32 v24, v2  }
0x106: {  	v10 =	vld [tilespmem:s25+$0xFFFFFEFF];
	v49 =	vor.u32 v25, v2  }
0x107: {  	v26 =	vor.u32 $0xB800, v46;
	v50 =	vor.u32 v21, v2;
	v3 =	vld.idx.msk [tilespmem:v3+s11+$0x0], $0xffff  }
0x108: {  	v27 =	vor.u32 $0x9000, v46;
	v19 =	vor.u32 v26, v2;
	v4 =	vld.idx.msk [tilespmem:v4+s11+$0x0], $0xffff  }
0x109: {  	v28 =	vor.u32 $0x9800, v46;
	v20 =	vor.u32 v27, v2;
	v6 =	vld.idx.msk [tilespmem:v47+s11+$0x0], $0xffff  }
0x10a: {  	v29 =	vor.u32 v28, v2;
	v9 =	vld.idx.msk [tilespmem:v48+s11+$0x0], $0xffff  }
0x10b: {  	v30 =	vor.u32 v23, v1;
	v11 =	vld.idx.msk [tilespmem:v49+s11+$0x0], $0xffff  }
0x10c: {  	v31 =	vor.u32 v26, v1;
	v12 =	vld.idx.msk [tilespmem:v50+s11+$0x0], $0xffff  }
0x10d: {  	v51 =	vor.u32 v24, v1;
	v19 =	vld.idx.msk [tilespmem:v19+s11+$0x0], $0xffff  }
0x10e: {  	v20 =	vld.idx.msk [tilespmem:v20+s11+$0x0], $0xffff;
	v52 =	vmul.f32 v3, v10;
	v3 =	vmul.f32 v3, v8  }
0x10f: {  	v2 =	vor.u32 v22, v2;
	v36 =	vld.idx.msk [tilespmem:v29+s11+$0x0], $0xffff;
	v54 =	vmul.f32 v4, v8;
	v44 =	vmul.f32 v6, v7  }
0x110: {  	v30 =	vld.idx.msk [tilespmem:v30+s11+$0x0], $0xffff;
	v13 =	vmul.f32 v9, v7;
	v61 =	vmul.f32 v6, v5  }
0x111: {  	v31 =	vld.idx.msk [tilespmem:v31+s11+$0x0], $0xffff;
	v4 =	vmul.f32 v4, v10;
	v55 =	vmul.f32 v12, v5  }
0x112: {  	v39 =	vimm.f32 $0.0e+00;
	v32 =	vld.idx.msk [tilespmem:v51+s11+$0x0], $0xffff;
	v12 =	vmul.f32 v12, v7;
	v60 =	vmul.f32 v19, v7  }
0x113: {  	s30 =	simm.s32 $0x3;
	v53 =	vor.u32 v27, v1;
	v57 =	vmul.f32 v20, v5;
	v50 =	vmul.f32 v11, v7  }
0x114: {  	v59 =	vadd.s32 s30, v0;
	v2 =	vld.idx.msk [tilespmem:v2+s11+$0x0], $0xffff;
	v19 =	vmul.f32 v19, v5;
	v14 =	vmul.f32 v36, v5  }
0x115: {  	v56 =	vand.u32 $0x7F, v59;
	v37 =	vmul.f32 v11, v5;
	v43 =	vmul.f32 v30, v10  }
0x116: {  	v29 =	vor.u32 v28, v1;
	v30 =	vmul.f32 v30, v8;
	v6 =	vmul.f32 v31, v8  }
0x117: {  	v1 =	vor.u32 v25, v1;
	v9 =	vmul.f32 v9, v5;
	v46 =	vmul.f32 v32, v8  }
0x118: {  	v34 =	vld.idx.msk [tilespmem:v53+s11+$0x0], $0xffff;
	v31 =	vmul.f32 v31, v10;
	v33 =	vadd.f32 v52, v39;
	v3 =	vadd.f32 v3, v39  }
0x119: {  	v47 =	vmul.f32 v2, v7;
	v35 =	vadd.f32 v54, v39;
	v63 =	vadd.f32 v4, v39  }
0x11a: {  	s31 =	simm.s32 $0x2;
	v2 =	vmul.f32 v2, v5;
	v52 =	vadd.f32 v43, v39;
	v5 =	vadd.f32 v6, v39  }
0x11b: {  	v45 =	vadd.f32 v31, v39;
	v4 =	vor.u32 v23, v56;
	v31 =	vadd.s32 s31, v0  }
0x11c: {  	v29 =	vld.idx.msk [tilespmem:v29+s11+$0x0], $0xffff;
	v53 =	vand.u32 $0x7F, v31;
	v41 =	vadd.f32 v12, v33;
	v55 =	vadd.f32 v55, v3  }
0x11d: {  	v1 =	vld.idx.msk [tilespmem:v1+s11+$0x0], $0xffff;
	v12 =	vmul.f32 v34, v8;
	v34 =	vmul.f32 v34, v10;
	v38 =	vadd.f32 v2, v35  }
0x11e: {  	v35 =	vadd.f32 v30, v39;
	v58 =	vor.u32 v21, v53;
	v59 =	vor.u32 v22, v53  }
0x11f: {  	v51 =	vor.u32 v24, v53;
	v54 =	vor.u32 v23, v53;
	v48 =	vor.u32 v27, v53  }
0x120: {  	s24 =	simm.s32 $0x10303;
	v49 =	vor.u32 v28, v53;
	v40 =	vadd.f32 v19, v5;
	v5 =	vor.u32 v24, v56  }
0x121: {  	v31 =	vld [tilespmem:s24+$0xFFFFFEFF];
	v19 =	vor.u32 v21, v56;
	v43 =	vadd.f32 v60, v45;
	v62 =	vmul.f32 v29, v10  }
0x122: {  	v33 =	vld [tilespmem:s24+$0xFFFFFF00];
	v60 =	vor.u32 v26, v53;
	v2 =	vmul.f32 v1, v8;
	v8 =	vmul.f32 v29, v8  }
0x123: {  	v30 =	vld [tilespmem:s24+$0xFFFFFFFF];
	v15 =	vmul.f32 v1, v10;
	v10 =	vmul.f32 v32, v10;
	v45 =	vadd.f32 v61, v35  }
0x124: {  	v29 =	vld [tilespmem:s24+$0x0];
	v32 =	vor.u32 v25, v56;
	v12 =	vadd.f32 v12, v39;
	v11 =	vadd.f32 v8, v39  }
0x125: {  	v6 =	vadd.f32 v15, v39;
	v8 =	vor.u32 v22, v56;
	v15 =	vadd.f32 v46, v39;
	v61 =	vld.idx.msk [tilespmem:v4+s11+$0x0], $0xffff  }
0x126: {  	v46 =	vor.u32 v25, v53;
	v3 =	vadd.f32 v2, v39;
	v2 =	vor.u32 v26, v56;
	v1 =	vld.idx.msk [tilespmem:v58+s11+$0x0], $0xffff  }
0x127: {  	v4 =	vor.u32 v27, v56;
	v42 =	vadd.f32 v62, v39;
	v59 =	vld.idx.msk [tilespmem:v59+s11+$0x0], $0xffff;
	v35 =	vadd.f32 v9, v15  }
0x128: {  	v58 =	vadd.f32 v47, v63;
	v53 =	vld.idx.msk [tilespmem:v5+s11+$0x0], $0xffff;
	v5 =	vor.u32 v28, v56;
	v9 =	vadd.f32 v10, v39  }
0x129: {  	v56 =	vadd.f32 v44, v52;
	v63 =	vadd.f32 v34, v39;
	v44 =	vmul.f32 v36, v7;
	v62 =	vld.idx.msk [tilespmem:v19+s11+$0x0], $0xffff  }
0x12a: {  	v36 =	vadd.f32 v57, v12;
	v57 =	vadd.f32 v14, v11;
	v47 =	vld.idx.msk [tilespmem:v32+s11+$0x0], $0xffff  }
0x12b: {  	v20 =	vmul.f32 v20, v7;
	v32 =	vadd.f32 v37, v3;
	v37 =	vadd.f32 v44, v42;
	v52 =	vld.idx.msk [tilespmem:v2+s11+$0x0], $0xffff  }
0x12c: {  	v42 =	vadd.f32 v50, v6;
	v34 =	vld.idx.msk [tilespmem:v4+s11+$0x0], $0xffff;
	v15 =	vmul.f32 v1, v31;
	v1 =	vmul.f32 v1, v30  }
0x12d: {  	v50 =	vadd.f32 v13, v9;
	v44 =	vmul.f32 v61, v33;
	v3 =	vmul.f32 v59, v30;
	v39 =	vld.idx.msk [tilespmem:v5+s11+$0x0], $0xffff  }
0x12e: {  	s26 =	simm.s32 $0x4;
	v2 =	vadd.f32 v15, v41;
	v19 =	vadd.f32 v1, v55;
	v41 =	vmul.f32 v53, v33;
	v55 =	vld.idx.msk [tilespmem:v8+s11+$0x0], $0xffff  }
.LBB2_6:
0x12f: {  	s28 =	sadd.s32 $0x1, s26  }
0x130: {  	v1 =	vld.idx.msk [tilespmem:v54+s11+$0x0], $0xffff;
	v4 =	vmul.f32 v61, v29;
	s24 =	sadd.s32 $0x2, s24;
	v5 =	vadd.f32 v20, v63;
	v6 =	vmovc v33;
	s29 =	smov.u32 s26;
	s25 =	sadd.s32 $0x2, s26;
	v0 =	vlaneseq.u32  }
0x131: {  	p0 =	slt.u32 s26, $0x7E;
	v8 =	vmul.f32 v59, v31;
	v10 =	vmul.f32 v62, v29;
	v7 =	vadd.s32 s28, v0;
	v9 =	vld.idx.msk [tilespmem:v60+s11+$0x0], $0xffff  }
0x132: {  	v3 =	vadd.f32 v3, v38;
	v12 =	vmul.f32 v62, v6;
	v20 =	vmul.f32 v52, v6;
	v11 =	vld.idx.msk [tilespmem:v51+s11+$0x0], $0xffff  }
0x133: {  	v14 =	vmul.f32 v47, v6;
	v8 =	vadd.f32 v8, v58;
	v13 =	vmul.f32 v34, v29;
	v33 =	vld.idx.msk [tilespmem:v48+s11+$0x0], $0xffff  }
0x134: {  	v10 =	vadd.f32 v10, v19;
	v2 =	vadd.f32 v12, v2;
	v12 =	vmul.f32 v52, v29;
	v48 =	vld.idx.msk [tilespmem:v49+s11+$0x0], $0xffff  }
0x135: {  	v15 =	vmul.f32 v39, v29;
	v52 =	vmul.f32 v47, v29;
	v19 =	vld.idx.msk [tilespmem:v46+s11+$0x0], $0xffff  }
0x136: {  	v38 =	vmul.f32 v1, v31;
	v1 =	vmul.f32 v1, v30  }
0x137: {  	v47 =	vmul.f32 v53, v29;
	v46 =	vmul.f32 v9, v30  }
0x138: {  	v9 =	vmul.f32 v9, v31;
	v53 =	vmul.f32 v11, v30;
	v56 =	vadd.f32 v38, v56  }
0x139: {  	v58 =	vmul.f32 v55, v6;
	v16 =	vmul.f32 v33, v30;
	v40 =	vadd.f32 v46, v40  }
0x13a: {  	v29 =	vmul.f32 v55, v29;
	v62 =	vmul.f32 v33, v31  }
0x13b: {  	v55 =	vmul.f32 v48, v31;
	v46 =	vmul.f32 v19, v31  }
0x13c: {  	v7 =	vand.u32 $0x7F, v7;
	v38 =	vadd.f32 v29, v3;
	v9 =	vadd.f32 v9, v43  }
0x13d: {  	v3 =	vor.u32 v23, v7;
	v19 =	vmul.f32 v19, v30  }
0x13e: {  	v29 =	vadd.s32 s29, v0;
	v1 =	vadd.f32 v1, v45  }
0x13f: {  	v45 =	vand.u32 $0x7F, v29;
	v30 =	vmul.f32 v48, v30  }
0x140: {  	v11 =	vmul.f32 v11, v31;
	v43 =	vor.u32 v21, v45;
	v59 =	vor.u32 v22, v45  }
0x141: {  	v51 =	vor.u32 v24, v45;
	v54 =	vor.u32 v23, v45;
	v57 =	vadd.f32 v30, v57;
	v29 =	vld [tilespmem:s24+$0x0]  }
0x142: {  	v49 =	vor.u32 v28, v45;
	v48 =	vor.u32 v27, v45;
	v40 =	vadd.f32 v12, v40;
	v33 =	vld [tilespmem:s24+$0xFFFFFF00]  }
0x143: {  	v17 =	vor.u32 v21, v7;
	v12 =	vor.u32 v24, v7;
	v42 =	vadd.f32 v46, v42;
	v30 =	vld [tilespmem:s24+$0xFFFFFFFF]  }
0x144: {  	v63 =	vor.u32 v25, v7;
	v18 =	vor.u32 v22, v7;
	v35 =	vadd.f32 v53, v35;
	v31 =	vld [tilespmem:s24+$0xFFFFFEFF]  }
0x145: {  	v46 =	vor.u32 v25, v45;
	v19 =	vadd.f32 v19, v32;
	v0 =	vld.idx.msk [tilespmem:v43+s11+$0x0], $0xffff;
	v43 =	vadd.f32 v20, v9  }
0x146: {  	v60 =	vor.u32 v26, v45;
	v45 =	vadd.f32 v4, v1;
	v9 =	vor.u32 v26, v7;
	v59 =	vld.idx.msk [tilespmem:v59+s11+$0x0], $0xffff  }
0x147: {  	v58 =	vadd.f32 v58, v8;
	v35 =	vadd.f32 v47, v35;
	v1 =	vor.u32 v27, v7;
	v61 =	vld.idx.msk [tilespmem:v3+s11+$0x0], $0xffff  }
0x148: {  	v56 =	vadd.f32 v44, v56;
	v4 =	vor.u32 v28, v7;
	v7 =	vadd.f32 v11, v50;
	v53 =	vld.idx.msk [tilespmem:v12+s11+$0x0], $0xffff  }
0x149: {  	v3 =	vadd.f32 v55, v37;
	v47 =	vld.idx.msk [tilespmem:v63+s11+$0x0], $0xffff;
	v63 =	vadd.f32 v62, v5;
	v5 =	vmul.f32 v39, v6  }
.Ltmp2:
0x14a: {  	v8 =	vadd.f32 v16, v36;
	v32 =	vadd.f32 v52, v19;
	v20 =	vmul.f32 v34, v6;
	v62 =	vld.idx.msk [tilespmem:v17+s11+$0x0], $0xffff;
	(pc) =	sbr.rel @p0 .LBB2_6-.Ltmp2, $4  }
0x14b: {  	v6 =	vmul.f32 v0, v31;
	v0 =	vmul.f32 v0, v30;
	v52 =	vld.idx.msk [tilespmem:v9+s11+$0x0], $0xffff;
	v37 =	vadd.f32 v5, v3  }
0x14c: {  	v36 =	vadd.f32 v13, v8;
	v42 =	vadd.f32 v14, v42;
	v3 =	vmul.f32 v59, v30;
	v34 =	vld.idx.msk [tilespmem:v1+s11+$0x0], $0xffff  }
0x14d: {  	v50 =	vadd.f32 v41, v7;
	v2 =	vadd.f32 v6, v2;
	v44 =	vmul.f32 v61, v33;
	v39 =	vld.idx.msk [tilespmem:v4+s11+$0x0], $0xffff  }
0x14e: {  	s26 =	smov.u32 s25;
	v57 =	vadd.f32 v15, v57;
	v19 =	vadd.f32 v0, v10;
	v41 =	vmul.f32 v53, v33;
	v55 =	vld.idx.msk [tilespmem:v18+s11+$0x0], $0xffff  }
0x14f: {  	_ =	sdelay $0x3  }
0x150: {  	v0 =	vld.idx.msk [tilespmem:v54+s11+$0x0], $0xffff  }
0x151: {  	v1 =	vld.idx.msk [tilespmem:v60+s11+$0x0], $0xffff  }
0x152: {  	v4 =	vld.idx.msk [tilespmem:v51+s11+$0x0], $0xffff;
	_ =	sdelay $0x1  }
0x153: {  	v5 =	vmul.f32 v61, v29;
	v6 =	vmul.f32 v59, v31;
	v7 =	vadd.f32 v20, v63;
	v10 =	vld.idx.msk [tilespmem:v49+s11+$0x0], $0xffff  }
0x154: {  	v8 =	vmul.f32 v62, v29;
	v9 =	vmul.f32 v62, v33;
	v3 =	vadd.f32 v3, v38;
	v12 =	vld.idx.msk [tilespmem:v48+s11+$0x0], $0xffff  }
0x155: {  	v6 =	vadd.f32 v6, v58;
	v11 =	vmul.f32 v0, v31;
	v0 =	vmul.f32 v0, v30  }
0x156: {  	v2 =	vadd.f32 v9, v2;
	v49 =	vmul.f32 v1, v30;
	v13 =	vmul.f32 v4, v30  }
0x157: {  	v8 =	vadd.f32 v8, v19;
	v1 =	vmul.f32 v1, v31;
	v4 =	vmul.f32 v4, v31  }
0x158: {  	v14 =	vmul.f32 v10, v30;
	v11 =	vadd.f32 v11, v56;
	v9 =	vadd.f32 v49, v40  }
0x159: {  	v19 =	vld [tilespmem:$0x1FEE0];
	v16 =	vmul.f32 v12, v31;
	v1 =	vadd.f32 v1, v43;
	v0 =	vadd.f32 v0, v45  }
0x15a: {  	v18 =	vld [tilespmem:$0x1FEF0];
	v12 =	vmul.f32 v12, v30;
	v13 =	vadd.f32 v13, v35;
	v4 =	vadd.f32 v4, v50  }
0x15b: {  	v15 =	vmul.f32 v53, v29;
	v14 =	vadd.f32 v14, v57;
	v7 =	vadd.f32 v16, v7  }
0x15c: {  	v12 =	vadd.f32 v12, v36;
	v4 =	vadd.f32 v41, v4  }
0x15d: {  	v53 =	vmul.f32 v34, v33;
	v0 =	vadd.f32 v5, v0;
	v50 =	vadd.f32 v15, v13  }
0x15e: {  	v51 =	vld.idx.msk [tilespmem:v46+s11+$0x0], $0xffff;
	v16 =	vmul.f32 v34, v29;
	v11 =	vadd.f32 v44, v11;
	v4 =	vadd.f32 v4, v19  }
0x15f: {  	v5 =	vmul.f32 v10, v31;
	v7 =	vadd.f32 v53, v7;
	v10 =	vadd.f32 v50, v18  }
0x160: {  	v54 =	vmul.f32 v39, v29;
	v12 =	vadd.f32 v16, v12;
	v0 =	vadd.f32 v0, v18;
	[tilespmem:$0x10580] =	vst v4  }
0x161: {  	v17 =	vmul.f32 v39, v33;
	v5 =	vadd.f32 v5, v37;
	v4 =	vadd.f32 v11, v19;
	[tilespmem:$0x10780] =	vst v10  }
0x162: {  	v60 =	vmul.f32 v52, v33;
	v11 =	vadd.f32 v54, v14;
	[tilespmem:$0x10790] =	vst v0;
	v0 =	vadd.f32 v12, v18  }
0x163: {  	v57 =	vmul.f32 v51, v30;
	v5 =	vadd.f32 v17, v5;
	[tilespmem:$0x10590] =	vst v4;
	v4 =	vadd.f32 v7, v19  }
0x164: {  	v56 =	vmul.f32 v51, v31;
	v2 =	vadd.f32 v2, v19;
	[tilespmem:$0x107A0] =	vst v0;
	v0 =	vadd.f32 v11, v18  }
0x165: {  	v7 =	vadd.f32 v57, v32;
	[tilespmem:$0x105A0] =	vst v4;
	v4 =	vadd.f32 v5, v19;
	v5 =	vmul.f32 v47, v29  }
0x166: {  	v58 =	vmul.f32 v47, v33;
	v1 =	vadd.f32 v60, v1;
	v10 =	vadd.f32 v56, v42;
	[tilespmem:$0x107B0] =	vst v0  }
0x167: {  	v0 =	vadd.f32 v8, v18;
	[tilespmem:$0x105B0] =	vst v4;
	v4 =	vmul.f32 v55, v29;
	v5 =	vadd.f32 v5, v7  }
0x168: {  	v59 =	vmul.f32 v55, v33;
	[tilespmem:$0x105C0] =	vst v2;
	v1 =	vadd.f32 v1, v19;
	v10 =	vadd.f32 v58, v10  }
0x169: {  	v61 =	vmul.f32 v52, v29;
	[tilespmem:$0x107C0] =	vst v0;
	v3 =	vadd.f32 v4, v3;
	v0 =	vadd.f32 v5, v18  }
0x16a: {  	v6 =	vadd.f32 v59, v6;
	[tilespmem:$0x105F0] =	vst v1;
	v2 =	vadd.f32 v10, v19  }
0x16b: {  	v4 =	vadd.f32 v61, v9;
	[tilespmem:$0x107D0] =	vst v0;
	v0 =	vadd.f32 v3, v18  }
0x16c: {  	[tilespmem:$0x105D0] =	vst v2;
	v2 =	vadd.f32 v6, v19  }
0x16d: {  	[tilespmem:$0x107E0] =	vst v0;
	v0 =	vadd.f32 v4, v18  }
0x16e: {  	[tilespmem:$0x105E0] =	vst v2  }
0x16f: {  	[tilespmem:$0x107F0] =	vst v0  }
0x170: {  	_ =	swait.ge [sflag:s18], $0x4000  }
0x171: {  	v62 =	vld [tilespmem:$0x1FFA0];
	_ =	sdelay $0x2  }
0x172: {  	s24 =	simm.s32 $0x0;
	v21 =	vlaneseq.u32  }
0x173: {  	v0 =	vadd.s32 s24, v21  }
0x174: {  	s29 =	simm.s32 $0x1;
	v0 =	vand.u32 $0x7F, v0;
	[sflag:s18] =	ssyncset.done $0x0;
	v22 =	vor.u32 $0xE000, v62  }
0x175: {  	s25 =	simm.s32 $0x10301;
	v1 =	vadd.s32 s29, v21;
	[sflag:s18] =	ssyncadd.s32 $0xFFFFC000;
	v46 =	vor.u32 $0xF000, v62;
	v2 =	vor.u32 v22, v0  }
0x176: {  	v1 =	vand.u32 $0x7F, v1;
	v4 =	vld [tilespmem:s25+$0x0];
	v23 =	vor.u32 $0xC800, v62;
	v3 =	vor.u32 v46, v0  }
0x177: {  	v6 =	vld [tilespmem:s25+$0xFFFFFF00];
	v24 =	vor.u32 $0xC000, v62;
	v5 =	vor.u32 v23, v1  }
0x178: {  	v63 =	vld [tilespmem:s25+$0xFFFFFFFF];
	v43 =	vor.u32 v24, v1  }
0x179: {  	v9 =	vld [tilespmem:s25+$0xFFFFFEFF];
	v26 =	vor.u32 $0xF800, v62;
	v45 =	vor.u32 v22, v1  }
0x17a: {  	v27 =	vor.u32 $0xD000, v62;
	v47 =	vor.u32 v26, v1;
	v2 =	vld.idx.msk [tilespmem:v2+s11+$0x0], $0xffff  }
0x17b: {  	v25 =	vor.u32 $0xE800, v62;
	v48 =	vor.u32 v27, v1;
	v3 =	vld.idx.msk [tilespmem:v3+s11+$0x0], $0xffff  }
0x17c: {  	v28 =	vor.u32 $0xD800, v62;
	v44 =	vor.u32 v25, v1;
	v5 =	vld.idx.msk [tilespmem:v5+s11+$0x0], $0xffff  }
0x17d: {  	v49 =	vor.u32 v28, v1;
	v8 =	vld.idx.msk [tilespmem:v43+s11+$0x0], $0xffff  }
0x17e: {  	v50 =	vor.u32 v23, v0;
	v11 =	vld.idx.msk [tilespmem:v45+s11+$0x0], $0xffff  }
0x17f: {  	v1 =	vor.u32 v46, v1;
	v16 =	vor.u32 v26, v0;
	v12 =	vld.idx.msk [tilespmem:v47+s11+$0x0], $0xffff  }
0x180: {  	v17 =	vor.u32 v24, v0;
	v19 =	vor.u32 v27, v0;
	v13 =	vld.idx.msk [tilespmem:v48+s11+$0x0], $0xffff;
	v18 =	vmul.f32 v2, v9  }
0x181: {  	v29 =	vor.u32 v28, v0;
	v10 =	vld.idx.msk [tilespmem:v44+s11+$0x0], $0xffff;
	v2 =	vmul.f32 v2, v63;
	v20 =	vmul.f32 v3, v63  }
0x182: {  	v0 =	vor.u32 v25, v0;
	v14 =	vld.idx.msk [tilespmem:v49+s11+$0x0], $0xffff;
	v32 =	vmul.f32 v5, v6;
	v41 =	vmul.f32 v8, v6  }
0x183: {  	v15 =	vld.idx.msk [tilespmem:v50+s11+$0x0], $0xffff;
	v53 =	vmul.f32 v5, v4;
	v3 =	vmul.f32 v3, v9  }
0x184: {  	v16 =	vld.idx.msk [tilespmem:v16+s11+$0x0], $0xffff;
	v30 =	vmul.f32 v11, v4;
	v11 =	vmul.f32 v11, v6  }
0x185: {  	v1 =	vld.idx.msk [tilespmem:v1+s11+$0x0], $0xffff;
	v35 =	vmul.f32 v12, v6;
	v36 =	vmul.f32 v13, v4  }
0x186: {  	v29 =	vld.idx.msk [tilespmem:v29+s11+$0x0], $0xffff;
	v39 =	vmul.f32 v10, v6;
	v12 =	vmul.f32 v12, v4  }
0x187: {  	s30 =	simm.s32 $0x3;
	v34 =	vimm.f32 $0.0e+00;
	v0 =	vld.idx.msk [tilespmem:v0+s11+$0x0], $0xffff;
	v57 =	vmul.f32 v14, v4;
	v10 =	vmul.f32 v10, v4  }
0x188: {  	v31 =	vadd.s32 s30, v21;
	v51 =	vmul.f32 v15, v9;
	v15 =	vmul.f32 v15, v63  }
0x189: {  	v47 =	vand.u32 $0x7F, v31;
	v60 =	vmul.f32 v16, v63;
	v8 =	vmul.f32 v8, v4  }
0x18a: {  	v52 =	vor.u32 v25, v47;
	v16 =	vmul.f32 v16, v9;
	v42 =	vmul.f32 v1, v6  }
0x18b: {  	v1 =	vmul.f32 v1, v4;
	v37 =	vmul.f32 v29, v9;
	v18 =	vadd.f32 v18, v34  }
0x18c: {  	v17 =	vld.idx.msk [tilespmem:v17+s11+$0x0], $0xffff;
	v61 =	vmul.f32 v0, v9;
	v2 =	vadd.f32 v2, v34;
	v20 =	vadd.f32 v20, v34  }
0x18d: {  	v7 =	vmul.f32 v29, v63;
	v56 =	vadd.f32 v3, v34;
	v44 =	vadd.f32 v51, v34  }
0x18e: {  	v0 =	vmul.f32 v0, v63;
	v4 =	vadd.f32 v60, v34;
	v16 =	vadd.f32 v16, v34  }
0x18f: {  	v19 =	vld.idx.msk [tilespmem:v19+s11+$0x0], $0xffff;
	v5 =	vor.u32 v46, v47;
	v15 =	vadd.f32 v15, v34;
	v7 =	vadd.f32 v7, v34  }
0x190: {  	v14 =	vmul.f32 v14, v6;
	v0 =	vadd.f32 v0, v34;
	v50 =	vadd.f32 v37, v34  }
0x191: {  	s31 =	simm.s32 $0x2;
	v11 =	vadd.f32 v11, v18;
	v18 =	vmul.f32 v17, v63;
	v55 =	vadd.f32 v30, v2  }
0x192: {  	s24 =	simm.s32 $0x10303;
	v38 =	vadd.f32 v1, v20;
	v1 =	vor.u32 v23, v47;
	v20 =	vadd.s32 s31, v21  }
0x193: {  	v33 =	vld [tilespmem:s24+$0xFFFFFF00];
	v40 =	vadd.f32 v12, v4;
	v4 =	vor.u32 v24, v47;
	v20 =	vand.u32 $0x7F, v20  }
0x194: {  	v31 =	vld [tilespmem:s24+$0xFFFFFEFF];
	v2 =	vmul.f32 v19, v63;
	v19 =	vmul.f32 v19, v9;
	v62 =	vor.u32 v22, v20  }
0x195: {  	[tilespmem:$0x1FEC0] =	vst v22;
	v29 =	vld [tilespmem:s24+$0x0];
	v9 =	vmul.f32 v17, v9;
	v17 =	vadd.f32 v61, v34;
	v43 =	vadd.f32 v35, v16  }
0x196: {  	[tilespmem:$0x1FED0] =	vst v46;
	v30 =	vld [tilespmem:s24+$0xFFFFFFFF];
	v45 =	vadd.f32 v53, v15;
	v58 =	vadd.f32 v42, v56;
	v63 =	vor.u32 v46, v20  }
0x197: {  	v16 =	vor.u32 v26, v47;
	v56 =	vadd.f32 v32, v44;
	v32 =	vadd.f32 v10, v0;
	v61 =	vld.idx.msk [tilespmem:v1+s11+$0x0], $0xffff  }
0x198: {  	v12 =	vor.u32 v22, v47;
	v37 =	vadd.f32 v14, v50;
	v57 =	vadd.f32 v57, v7;
	v53 =	vld.idx.msk [tilespmem:v4+s11+$0x0], $0xffff  }
0x199: {  	v51 =	vor.u32 v24, v20;
	v54 =	vor.u32 v23, v20;
	v1 =	vor.u32 v27, v47;
	v3 =	vld.idx.msk [tilespmem:v62+s11+$0x0], $0xffff  }
0x19a: {  	v48 =	vor.u32 v27, v20;
	v18 =	vadd.f32 v18, v34;
	v4 =	vor.u32 v28, v47;
	v47 =	vld.idx.msk [tilespmem:v52+s11+$0x0], $0xffff  }
0x19b: {  	v49 =	vor.u32 v28, v20;
	v46 =	vor.u32 v25, v20;
	v2 =	vadd.f32 v2, v34;
	v59 =	vld.idx.msk [tilespmem:v63+s11+$0x0], $0xffff  }
0x19c: {  	v60 =	vor.u32 v26, v20;
	v42 =	vadd.f32 v39, v17;
	v35 =	vadd.f32 v8, v18;
	v52 =	vld.idx.msk [tilespmem:v16+s11+$0x0], $0xffff  }
0x19d: {  	v20 =	vmul.f32 v13, v6;
	v8 =	vadd.f32 v9, v34;
	v36 =	vadd.f32 v36, v2;
	v62 =	vld.idx.msk [tilespmem:v12+s11+$0x0], $0xffff  }
0x19e: {  	v63 =	vadd.f32 v19, v34;
	v34 =	vld.idx.msk [tilespmem:v1+s11+$0x0], $0xffff;
	v0 =	vmul.f32 v3, v31;
	v15 =	vmul.f32 v3, v30  }
0x19f: {  	v50 =	vadd.f32 v41, v8;
	v44 =	vmul.f32 v61, v33;
	v39 =	vld.idx.msk [tilespmem:v4+s11+$0x0], $0xffff;
	v41 =	vmul.f32 v53, v33  }
0x1a0: {  	s26 =	simm.s32 $0x4;
	v3 =	vmul.f32 v59, v30;
	v2 =	vadd.f32 v0, v11;
	v19 =	vadd.f32 v15, v55;
	v55 =	vld.idx.msk [tilespmem:v5+s11+$0x0], $0xffff  }
.LBB2_8:
0x1a1: {  	_ = 	snop  }
0x1a2: {  	v0 =	vld.idx.msk [tilespmem:v54+s11+$0x0], $0xffff;
	v5 =	vmov v33  }
0x1a3: {  	v7 =	vmul.f32 v59, v31;
	v8 =	vld.idx.msk [tilespmem:v60+s11+$0x0], $0xffff;
	v11 =	vmul.f32 v62, v5  }
0x1a4: {  	v10 =	vld.idx.msk [tilespmem:v51+s11+$0x0], $0xffff;
	v15 =	vmul.f32 v47, v5;
	v1 =	vmul.f32 v61, v29  }
0x1a5: {  	v4 =	vadd.f32 v20, v63;
	v13 =	vld.idx.msk [tilespmem:v48+s11+$0x0], $0xffff;
	v9 =	vmul.f32 v62, v29;
	v12 =	vmul.f32 v52, v5  }
0x1a6: {  	s28 =	sadd.s32 $0x1, s26;
	v21 =	vlaneseq.u32;
	v14 =	vmul.f32 v34, v29;
	v61 =	vmul.f32 v52, v29  }
0x1a7: {  	v17 =	vld.idx.msk [tilespmem:v46+s11+$0x0], $0xffff;
	v6 =	vadd.s32 s28, v21;
	v18 =	vmul.f32 v39, v29;
	v20 =	vmul.f32 v0, v31  }
0x1a8: {  	v3 =	vadd.f32 v3, v38;
	v0 =	vmul.f32 v0, v30;
	v62 =	vmul.f32 v8, v30  }
0x1a9: {  	v7 =	vadd.f32 v7, v58;
	v46 =	vmul.f32 v10, v30;
	v8 =	vmul.f32 v8, v31  }
0x1aa: {  	v16 =	vld.idx.msk [tilespmem:v49+s11+$0x0], $0xffff;
	v52 =	vmul.f32 v13, v30;
	v9 =	vadd.f32 v9, v19;
	v19 =	vmul.f32 v47, v29  }
0x1ab: {  	v6 =	vand.u32 $0x7F, v6;
	v47 =	vmul.f32 v53, v29;
	v29 =	vmul.f32 v55, v29  }
0x1ac: {  	s29 =	smov.u32 s26;
	v2 =	vadd.f32 v11, v2;
	v13 =	vmul.f32 v13, v31;
	v63 =	vmul.f32 v17, v31  }
0x1ad: {  	v17 =	vmul.f32 v17, v30;
	v38 =	vadd.f32 v29, v3;
	v29 =	vadd.s32 s29, v21;
	v21 =	vld [tilespmem:$0x1FEC0]  }
0x1ae: {  	v11 =	vor.u32 v24, v6;
	v10 =	vmul.f32 v10, v31;
	v53 =	vmul.f32 v55, v5  }
0x1af: {  	v22 =	vld [tilespmem:$0x1FED0];
	v55 =	vmul.f32 v16, v31;
	v20 =	vadd.f32 v20, v56;
	v40 =	vadd.f32 v62, v40  }
0x1b0: {  	v16 =	vmul.f32 v16, v30;
	v8 =	vadd.f32 v8, v43;
	v0 =	vadd.f32 v0, v45  }
0x1b1: {  	s24 =	sadd.s32 $0x2, s24;
	v42 =	vadd.f32 v63, v42;
	v62 =	vor.u32 v25, v6;
	v45 =	vand.u32 $0x7F, v29  }
0x1b2: {  	v33 =	vld [tilespmem:s24+$0xFFFFFF00];
	v35 =	vadd.f32 v46, v35;
	v17 =	vadd.f32 v17, v32;
	v43 =	vor.u32 v21, v45  }
0x1b3: {  	v30 =	vld [tilespmem:s24+$0xFFFFFFFF];
	v63 =	vadd.f32 v13, v4;
	v3 =	vor.u32 v23, v6;
	v16 =	vadd.f32 v16, v57  }
0x1b4: {  	v31 =	vld [tilespmem:s24+$0xFFFFFEFF];
	v35 =	vadd.f32 v47, v35;
	v58 =	vor.u32 v22, v45;
	v51 =	vor.u32 v24, v45  }
0x1b5: {  	v29 =	vld [tilespmem:s24+$0x0];
	v54 =	vor.u32 v23, v45;
	v48 =	vor.u32 v27, v45;
	v49 =	vor.u32 v28, v45  }
0x1b6: {  	v46 =	vor.u32 v25, v45;
	v60 =	vor.u32 v26, v45;
	v47 =	vld.idx.msk [tilespmem:v62+s11+$0x0], $0xffff;
	v57 =	vor.u32 v21, v6  }
0x1b7: {  	v21 =	vor.u32 v22, v6;
	v45 =	vadd.f32 v1, v0;
	v0 =	vor.u32 v27, v6;
	v22 =	vld.idx.msk [tilespmem:v43+s11+$0x0], $0xffff  }
0x1b8: {  	v40 =	vadd.f32 v61, v40;
	v56 =	vadd.f32 v44, v20;
	v61 =	vld.idx.msk [tilespmem:v3+s11+$0x0], $0xffff;
	v1 =	vor.u32 v28, v6  }
0x1b9: {  	v4 =	vmul.f32 v39, v5;
	v32 =	vadd.f32 v19, v17;
	v3 =	vadd.f32 v55, v37;
	v59 =	vld.idx.msk [tilespmem:v58+s11+$0x0], $0xffff  }
0x1ba: {  	p0 =	slt.u32 s26, $0x7E;
	v58 =	vadd.f32 v53, v7;
	v53 =	vld.idx.msk [tilespmem:v11+s11+$0x0], $0xffff;
	v43 =	vadd.f32 v12, v8;
	v8 =	vor.u32 v26, v6  }
.Ltmp3:
0x1bb: {  	v20 =	vmul.f32 v34, v5;
	v12 =	vadd.f32 v10, v50;
	v62 =	vld.idx.msk [tilespmem:v57+s11+$0x0], $0xffff;
	v50 =	vadd.f32 v52, v36;
	(pc) =	sbr.rel @p0 .LBB2_8-.Ltmp3, $4  }
0x1bc: {  	v42 =	vadd.f32 v15, v42;
	v37 =	vadd.f32 v4, v3;
	v34 =	vld.idx.msk [tilespmem:v0+s11+$0x0], $0xffff;
	v5 =	vmul.f32 v22, v31  }
0x1bd: {  	v44 =	vmul.f32 v61, v33;
	v39 =	vld.idx.msk [tilespmem:v1+s11+$0x0], $0xffff;
	v36 =	vadd.f32 v14, v50;
	v57 =	vmul.f32 v22, v30  }
0x1be: {  	s25 =	sadd.s32 $0x2, s26;
	v55 =	vld.idx.msk [tilespmem:v21+s11+$0x0], $0xffff;
	v3 =	vmul.f32 v59, v30;
	v50 =	vadd.f32 v41, v12;
	v2 =	vadd.f32 v5, v2  }
0x1bf: {  	s26 =	smov.u32 s25;
	v41 =	vmul.f32 v53, v33;
	v52 =	vld.idx.msk [tilespmem:v8+s11+$0x0], $0xffff;
	v19 =	vadd.f32 v57, v9;
	v57 =	vadd.f32 v18, v16  }
0x1c0: {  	_ =	sdelay $0x3  }
0x1c1: {  	v0 =	vld.idx.msk [tilespmem:v54+s11+$0x0], $0xffff  }
0x1c2: {  	v1 =	vld.idx.msk [tilespmem:v60+s11+$0x0], $0xffff  }
0x1c3: {  	v4 =	vld.idx.msk [tilespmem:v51+s11+$0x0], $0xffff  }
0x1c4: {  	v10 =	vld.idx.msk [tilespmem:v49+s11+$0x0], $0xffff  }
0x1c5: {  	v6 =	vmul.f32 v59, v31;
	v7 =	vadd.f32 v20, v63;
	v18 =	vld [tilespmem:$0x1FEF0]  }
0x1c6: {  	v8 =	vmul.f32 v62, v29;
	v9 =	vmul.f32 v62, v33;
	v3 =	vadd.f32 v3, v38;
	v12 =	vld.idx.msk [tilespmem:v48+s11+$0x0], $0xffff  }
0x1c7: {  	v6 =	vadd.f32 v6, v58;
	v11 =	vmul.f32 v0, v31;
	v0 =	vmul.f32 v0, v30  }
0x1c8: {  	v8 =	vadd.f32 v8, v19;
	v49 =	vmul.f32 v1, v30;
	v13 =	vmul.f32 v4, v30  }
0x1c9: {  	v2 =	vadd.f32 v9, v2;
	v1 =	vmul.f32 v1, v31;
	v4 =	vmul.f32 v4, v31  }
0x1ca: {  	v19 =	vld [tilespmem:$0x1FEE0];
	v14 =	vmul.f32 v10, v30;
	v58 =	vadd.f32 v8, v18;
	v11 =	vadd.f32 v11, v56  }
0x1cb: {  	v16 =	vmul.f32 v12, v31;
	v9 =	vadd.f32 v49, v40;
	v1 =	vadd.f32 v1, v43  }
0x1cc: {  	v12 =	vmul.f32 v12, v30;
	v0 =	vadd.f32 v0, v45;
	v13 =	vadd.f32 v13, v35  }
0x1cd: {  	v5 =	vmul.f32 v61, v29;
	v4 =	vadd.f32 v4, v50;
	v14 =	vadd.f32 v14, v57  }
0x1ce: {  	v15 =	vmul.f32 v53, v29;
	v7 =	vadd.f32 v16, v7;
	v12 =	vadd.f32 v12, v36  }
0x1cf: {  	v16 =	vmul.f32 v34, v29;
	v2 =	vadd.f32 v2, v19;
	v4 =	vadd.f32 v41, v4  }
0x1d0: {  	v0 =	vadd.f32 v5, v0;
	v5 =	vmul.f32 v10, v31;
	v50 =	vadd.f32 v15, v13;
	v13 =	vld.idx.msk [tilespmem:v46+s11+$0x0], $0xffff  }
0x1d1: {  	v11 =	vadd.f32 v44, v11;
	v15 =	vmul.f32 v34, v33;
	v4 =	vadd.f32 v4, v19  }
0x1d2: {  	v57 =	vmul.f32 v55, v33;
	v12 =	vadd.f32 v16, v12;
	[tilespmem:$0x10640] =	vst v2;
	v5 =	vadd.f32 v5, v37  }
0x1d3: {  	v17 =	vmul.f32 v39, v33;
	v7 =	vadd.f32 v15, v7;
	[tilespmem:$0x10600] =	vst v4;
	v4 =	vadd.f32 v11, v19  }
0x1d4: {  	v51 =	vmul.f32 v39, v29;
	v6 =	vadd.f32 v57, v6;
	[tilespmem:$0x10840] =	vst v58;
	v10 =	vadd.f32 v50, v18  }
0x1d5: {  	v5 =	vadd.f32 v17, v5;
	v53 =	vmul.f32 v13, v31;
	[tilespmem:$0x10610] =	vst v4;
	v4 =	vadd.f32 v7, v19  }
0x1d6: {  	v0 =	vadd.f32 v0, v18;
	v54 =	vadd.f32 v12, v18;
	[tilespmem:$0x10800] =	vst v10;
	v7 =	vmul.f32 v13, v30  }
0x1d7: {  	v12 =	vmul.f32 v47, v33;
	v10 =	vadd.f32 v53, v42;
	[tilespmem:$0x10620] =	vst v4;
	v4 =	vadd.f32 v5, v19  }
0x1d8: {  	v11 =	vadd.f32 v51, v14;
	[tilespmem:$0x10810] =	vst v0;
	v5 =	vmul.f32 v47, v29;
	v7 =	vadd.f32 v7, v32  }
0x1d9: {  	v61 =	vadd.f32 v6, v19;
	v10 =	vadd.f32 v12, v10;
	[tilespmem:$0x10630] =	vst v4;
	v4 =	vmul.f32 v55, v29  }
0x1da: {  	[tilespmem:$0x10820] =	vst v54;
	v56 =	vadd.f32 v11, v18;
	v5 =	vadd.f32 v5, v7;
	v7 =	vmul.f32 v52, v33  }
0x1db: {  	v8 =	vmul.f32 v52, v29;
	[tilespmem:$0x10660] =	vst v61;
	v59 =	vadd.f32 v10, v19;
	v3 =	vadd.f32 v4, v3  }
0x1dc: {  	[tilespmem:$0x10830] =	vst v56;
	v60 =	vadd.f32 v5, v18;
	v1 =	vadd.f32 v7, v1  }
0x1dd: {  	v4 =	vadd.f32 v8, v9;
	[tilespmem:$0x10650] =	vst v59;
	v62 =	vadd.f32 v3, v18  }
0x1de: {  	[tilespmem:$0x10850] =	vst v60;
	v1 =	vadd.f32 v1, v19  }
0x1df: {  	v63 =	vadd.f32 v4, v18;
	[tilespmem:$0x10860] =	vst v62  }
0x1e0: {  	[tilespmem:$0x10670] =	vst v1  }
0x1e1: {  	[tilespmem:$0x10870] =	vst v63  }
0x1e2: {  	[hbm4b:s5+s10] =	stream.strided.scatter [tilespmem:s21], [sflag:$0x3], $0x200, s16, s10, $0x38;
	[tilespmem:$0x10880] =	vst v63  }
0x1e3: {  	_ = 	snop  }
0x1e4: {  	[hbm4b:s7+s10] =	stream.strided.scatter [tilespmem:s22], [sflag:$0x3], $0x200, s16, s10, $0x38;
	[tilespmem:$0x10880] =	vst v63  }
0x1e5: {  	_ =	swait.ge [sflag:s14], $0x200  }
0x1e6: {  	[sflag:s14] =	ssyncset.done $0x0  }
0x1e7: {  	[sflag:s14] =	ssyncadd.s32 $0xFFFFFE00  }
0x1e8: {  	s23 =	sadd.s32 $0x1, s23;
	_ =	swait.ge [sflag:s14], $0x200  }
0x1e9: {  	p0 =	sne.s32 s23, s8;
	v6 =	vld [tilespmem:$0x1FFA0]  }
.Ltmp4:
0x1ea: {  	v16 =	vld [tilespmem:$0x1FFB0];
	(pc) =	sbr.rel @p0 .LBB2_1-.Ltmp4, $4  }
0x1eb: {  	v17 =	vld [tilespmem:$0x1FFC0]  }
0x1ec: {  	v15 =	vld [tilespmem:$0x1FFD0]  }
0x1ed: {  	[sflag:s14] =	ssyncset.done $0x0;
	v4 =	vld [tilespmem:$0x1FFE0]  }
0x1ee: {  	v18 =	vld [tilespmem:$0x1FFF0];
	[sflag:s14] =	ssyncadd.s32 $0xFFFFFE00  }
0x1ef: {  	_ =	sfence.sel $0x180000  }
0x1f0: {  	[bflag:$0x0] =	sbarrier.arrive $0xFFFF  }
0x1f1: {  	p0 =	sne.s32 s3, $0x0;
	_ =	strace $0x90000047  }
0x1f2: {  	s0 =	sadd.s32 @!p0 $0x100000, s0;
	[bflag:$0x2] =	sbarrier.arrive $0xFFFF  }
0x1f3: {  	[sflag:s0] =	ssyncadd.tile.s32 @!p0 $0x1;
	_ =	shalt  }
.Lfunc_end2:
_tile_overlayer_lowered:
.L_overlay_start_2:
0x1f4: {  	(tag) =	ssettag $0x2  }
0x1f5: {  	s0 =	rddreg [dreg:$0x0];
	s2 =	stileid.u32  }
0x1f6: {  	s1 =	rddreg [dreg:$0x1];
	p0 =	sne.s32 s2, $0x0  }
0x1f7: {  	s3 =	rddreg [dreg:$0x2];
	[bflag:$0x3] =	sbarrier.arrive $0xFFFF;
	s2 =	simm.s32 @!p0 $0x1C04  }
0x1f8: {  	[timem:s3], [sflag:s2] =	dma.local @!p0 [hbm:s0], s1  }
0x1f9: {  	s0 =	simm.s32 @!p0 $0x4  }
0x1fa: {  	_ =	swait.ge @!p0 [sflag:s0], s1  }
0x1fb: {  	s1 =	ssub.s32 @!p0 $0x0, s1;
	[sflag:s0] =	ssyncset.done @!p0 $0x0  }
0x1fc: {  	[sflag:s0] =	ssyncadd.s32 @!p0 s1  }
0x1fd: {  	[bflag:$0x3] =	sbarrier.arrive $0xFFFF  }
0x1fe: {  	_ =	shalt  }

</sc_bundles>
